<compile_context>
chip_gen: v7x
topology: tpu7x:2x2x1
jax: 0.10.2.dev20260603
libtpu: 0.0.44.dev20260713+nightly
codegen_flags: <defaults>
</compile_context>

<pallas_src>
import functools

import jax
import jax.numpy as jnp
from jax import lax
from jax.experimental import pallas as pl
from jax.experimental.pallas import tpu as pltpu
from jax.experimental.pallas import tpu_sc as plsc

N = 10000
E_NUM = 320000
D = 128

NC = 2
NS = 16
NW = NC * NS
E_PER_W = E_NUM // NW
CHUNK = 80
NCHUNK = E_PER_W // CHUNK
RPT = N // NS


def _deg_body(dst_hbm, ones_hbm, zeros_hbm, deg_out, idx_v, ones_v, acc, sem):
    del sem
    cid = lax.axis_index("c")
    sid = lax.axis_index("s")

    @pl.when(sid == 0)
    def _():
        pltpu.sync_copy(zeros_hbm, acc)

    pltpu.sync_copy(ones_hbm, ones_v)
    pltpu.sync_copy(dst_hbm.at[cid, sid], idx_v)
    plsc.subcore_barrier()

    def body(j, carry):
        pltpu.sync_copy(ones_v, acc.at[idx_v.at[j]], add=True)
        return carry

    lax.fori_loop(0, E_PER_W // CHUNK, body, 0)
    plsc.subcore_barrier()

    @pl.when(sid == 0)
    def _():
        pltpu.sync_copy(acc, deg_out.at[cid])


def _agg_body(src_hbm, dst_hbm, u3_hbm, u2_hbm, zeros_hbm, p_out,
              srcw, dst_v, buf0, buf1, p_acc, gsem, isem):
    cid = lax.axis_index("c")
    sid = lax.axis_index("s")
    row0 = sid * RPT

    @pl.when(cid == 0)
    def _():
        pltpu.sync_copy(u3_hbm.at[sid], p_acc.at[pl.ds(row0, RPT)])

    @pl.when(cid != 0)
    def _():
        pltpu.sync_copy(zeros_hbm, p_acc.at[pl.ds(row0, RPT)])

    pltpu.sync_copy(dst_hbm.at[cid, sid], dst_v)

    def ldsrc(j, slot):
        pltpu.make_async_copy(src_hbm.at[cid, sid, j], srcw.at[slot], isem).start()

    def iwait():
        pltpu.make_async_copy(src_hbm.at[cid, sid, 0], srcw.at[0], isem).wait()

    def gather(slot, b):
        pltpu.make_async_copy(u2_hbm.at[srcw.at[slot]], b, gsem).start()

    def gwait(b):
        pltpu.make_async_copy(u2_hbm.at[srcw.at[0]], b, gsem).wait()

    def scat(j, b):
        pltpu.sync_copy(b, p_acc.at[dst_v.at[j]], add=True)

    ldsrc(0, 0)
    ldsrc(1, 1)
    iwait()
    iwait()
    plsc.subcore_barrier()

    gather(0, buf0)

    def pair(k, carry):
        j = 2 * k
        gwait(buf0)
        gather(1, buf1)
        ldsrc(j + 2, 0)
        scat(j, buf0)
        iwait()
        gwait(buf1)
        gather(0, buf0)

        @pl.when(k < (NCHUNK - 1) // 2 - 1)
        def _():
            ldsrc(j + 3, 1)

        scat(j + 1, buf1)

        @pl.when(k < (NCHUNK - 1) // 2 - 1)
        def _():
            iwait()

        return carry

    lax.fori_loop(0, (NCHUNK - 1) // 2, pair, 0)
    gwait(buf0)
    scat(NCHUNK - 1, buf0)
    plsc.subcore_barrier()
    pltpu.sync_copy(p_acc.at[pl.ds(row0, RPT)], p_out.at[cid, sid])


def _k2a_body(dp_ref, s_ref):
    deg = dp_ref[0:1, :] + dp_ref[1:2, :] + 1.0
    s_ref[...] = lax.rsqrt(jnp.maximum(deg, 1e-12))


def _k2b_body(x_ref, s_ref, u_ref):
    u_ref[0] = x_ref[0] * s_ref[0]


def _k4_body(p0_ref, p1_ref, s_ref, w_ref, b_ref, o_ref):
    agg = (p0_ref[0, 0] + p1_ref[0, 0]) * s_ref[0]
    o_ref[0] = (
        lax.dot_general(agg, w_ref[...], (((1,), (0,)), ((), ())),
                        preferred_element_type=jnp.float32)
        + b_ref[...]
    )


def kernel(V, E, X, W, b):
    del V
    mesh = plsc.VectorSubcoreMesh(core_axis_name="c", subcore_axis_name="s")

    src3 = E[0].reshape(NC, NS, NCHUNK, CHUNK)
    dst3 = E[1].reshape(NC, NS, NCHUNK, CHUNK)
    ones_chunk = jnp.ones((CHUNK,), jnp.float32)
    zeros_n = jnp.zeros((N,), jnp.float32)
    zeros_rows = jnp.zeros((RPT, D), jnp.float32)

    k1 = functools.partial(
        pl.kernel,
        mesh=mesh,
        out_type=jax.ShapeDtypeStruct((NC, N), jnp.float32),
        scratch_types=[
            pltpu.VMEM((NCHUNK, CHUNK), jnp.int32),
            pltpu.VMEM((CHUNK,), jnp.float32),
            pltpu.VMEM_SHARED((N,), jnp.float32),
            pltpu.SemaphoreType.DMA,
        ],
    )(_deg_body)
    degp = k1(dst3, ones_chunk, zeros_n)

    s_row = pl.pallas_call(
        _k2a_body,
        out_shape=jax.ShapeDtypeStruct((1, N), jnp.float32),
    )(degp)

    s3 = s_row.reshape(NS, RPT, 1)
    X3 = X.reshape(NS, RPT, D)
    U3 = pl.pallas_call(
        _k2b_body,
        grid=(NS,),
        in_specs=[
            pl.BlockSpec((1, RPT, D), lambda i: (i, 0, 0)),
            pl.BlockSpec((1, RPT, 1), lambda i: (i, 0, 0)),
        ],
        out_specs=pl.BlockSpec((1, RPT, D), lambda i: (i, 0, 0)),
        out_shape=jax.ShapeDtypeStruct((NS, RPT, D), jnp.float32),
    )(X3, s3)
    U2 = U3.reshape(N, D)

    k3 = functools.partial(
        pl.kernel,
        mesh=mesh,
        out_type=jax.ShapeDtypeStruct((NC, NS, RPT, D), jnp.float32),
        scratch_types=[
            pltpu.VMEM((2, CHUNK), jnp.int32),
            pltpu.VMEM((NCHUNK, CHUNK), jnp.int32),
            pltpu.VMEM((CHUNK, D), jnp.float32),
            pltpu.VMEM((CHUNK, D), jnp.float32),
            pltpu.VMEM_SHARED((N, D), jnp.float32),
            pltpu.SemaphoreType.DMA,
            pltpu.SemaphoreType.DMA,
        ],
    )(_agg_body)
    Pp = k3(src3, dst3, U3, U2, zeros_rows)

    out = pl.pallas_call(
        _k4_body,
        grid=(NS,),
        in_specs=[
            pl.BlockSpec((1, 1, RPT, D), lambda i: (0, i, 0, 0)),
            pl.BlockSpec((1, 1, RPT, D), lambda i: (1, i, 0, 0)),
            pl.BlockSpec((1, RPT, 1), lambda i: (i, 0, 0)),
            pl.BlockSpec((D, D), lambda i: (0, 0)),
            pl.BlockSpec((1, D), lambda i: (0, 0)),
        ],
        out_specs=pl.BlockSpec((1, RPT, D), lambda i: (i, 0, 0)),
        out_shape=jax.ShapeDtypeStruct((NS, RPT, D), jnp.float32),
    )(Pp, Pp, s3, W, b.reshape(1, D))
    return out.reshape(N, D)

# --- scband reference (transcript-rebuilt; emitter-appended) ---
"""Pipeline reference for scband-cat-gnn-gcn-2-5214090297727 (READ-ONLY COPY).

The authoritative reference and input builder live on the scoring server;
editing this copy changes nothing except your own understanding.
"""

import jax, jax.numpy as jnp
import numpy as np

N = 10000
E_NUM = 320000
D_IN = 128
D_OUT = 128

def setup_inputs(seed: int = 0):
    key = jax.random.key(seed)
    k1, k2, k3 = jax.random.split(key, 3)
    V = jnp.arange(N, dtype=jnp.int32)
    E = jax.random.randint(k1, (2, E_NUM), 0, N, dtype=jnp.int32)
    X = jax.random.normal(k2, (N, D_IN), dtype=jnp.float32)
    W = jax.random.normal(k3, (D_IN, D_OUT), dtype=jnp.float32) * (1.0 / np.sqrt(D_IN))
    b = jnp.zeros((D_OUT,), dtype=jnp.float32)
    return {"V": V, "E": E, "X": X, "W": W, "b": b}

def reference(V, E, X, W, b):
    # CatGNN GCN layer (MPNN_2): add self-loops, symmetric degree normalization,
    # message = norm * x_src, aggregate = scatter-add at dst, update = Linear.
    n = V.shape[0]
    self_loops = jnp.stack([V, V], axis=0)
    E_full = jnp.concatenate([E.astype(V.dtype), self_loops], axis=1)
    src = E_full[0]
    dst = E_full[1]
    # in-degree including self-loops
    deg = jnp.zeros((n,), dtype=X.dtype).at[dst].add(jnp.ones((E_full.shape[1],), dtype=X.dtype))
    inv_sqrt_deg = jax.lax.rsqrt(jnp.maximum(deg, 1e-12))
    norm = inv_sqrt_deg[src] * inv_sqrt_deg[dst]
    # gather messages from source nodes
    msgs = jnp.take(X, src, axis=0) * norm[:, None]
    # scatter-add aggregation at destination nodes
    agg = jnp.zeros((n, X.shape[1]), dtype=X.dtype).at[dst].add(msgs)
    # node update MLP (Linear)
    return agg @ W + b

if __name__ == "__main__":
    import jax
    _d = setup_inputs()
    print(jax.jit(kernel)(*tuple(_d.values())))

</pallas_src>

<mosaic_0001>
#map = affine_map<(d0, d1) -> (0, 0, 0, 0)>
#map1 = affine_map<(d0, d1) -> (0)>
#map2 = affine_map<(d0, d1) -> (0, 0)>
module attributes {stable_mosaic.version = 14 : i64} {
  func.func @_deg_body(%arg0: i32, %arg1: i32, %arg2: memref<2x16x125x80xi32, #tpu.memory_space<hbm>>, %arg3: memref<80xf32, #tpu.memory_space<hbm>>, %arg4: memref<10000xf32, #tpu.memory_space<hbm>>, %arg5: memref<2x10000xf32, #tpu.memory_space<hbm>>, %arg6: memref<125x80xi32, #tpu.memory_space<vmem>>, %arg7: memref<80xf32, #tpu.memory_space<vmem>>, %arg8: memref<10000xf32, #tpu.memory_space<vmem_shared>>, %arg9: memref<!tpu.dma_semaphore, #tpu.memory_space<semaphore_mem>>) attributes {dimension_semantics = [#tpu.dimension_semantics<core_parallel>, #tpu.dimension_semantics<subcore_parallel>], iteration_bounds = array<i64: 2, 16>, scalar_prefetch = 0 : i64, scratch_operands = 4 : i64, tpu.core_type = #tpu.core_type<sc_vector_subcore>, window_params = [{transform_indices = #map}, {transform_indices = #map1}, {transform_indices = #map1}, {transform_indices = #map2}]} {
    %eq3A = arith.constant 0 : i32
    %eq3A_0 = arith.cmpi eq, %arg1, %eq3A : i32
    %convert_element_type3A = arith.extui %eq3A_0 : i1 to i32
    %cond3A = arith.constant 0 : i32
    %cond3A_1 = arith.cmpi ne, %convert_element_type3A, %cond3A : i32
    scf.if %cond3A_1 {
      "tpu.region"() ({
        %run_scoped3A = tpu.sem_alloc : memref<!tpu.dma_semaphore, #tpu.memory_space<semaphore_mem>>
        tpu.enqueue_dma source(%arg4 : memref<10000xf32, #tpu.memory_space<hbm>>) target(%arg8 : memref<10000xf32, #tpu.memory_space<vmem_shared>>) target_semaphore(%run_scoped3A : memref<!tpu.dma_semaphore, #tpu.memory_space<semaphore_mem>>)
        tpu.wait_dma2 semaphore(%run_scoped3A : memref<!tpu.dma_semaphore, #tpu.memory_space<semaphore_mem>>) src(%arg4 : memref<10000xf32, #tpu.memory_space<hbm>>) dst(%arg8 : memref<10000xf32, #tpu.memory_space<vmem_shared>>)
        tpu.yield
      }) : () -> ()
    } else {
    }
    "tpu.region"() ({
      %run_scoped3A = tpu.sem_alloc : memref<!tpu.dma_semaphore, #tpu.memory_space<semaphore_mem>>
      tpu.enqueue_dma source(%arg3 : memref<80xf32, #tpu.memory_space<hbm>>) target(%arg7 : memref<80xf32, #tpu.memory_space<vmem>>) target_semaphore(%run_scoped3A : memref<!tpu.dma_semaphore, #tpu.memory_space<semaphore_mem>>)
      tpu.wait_dma2 semaphore(%run_scoped3A : memref<!tpu.dma_semaphore, #tpu.memory_space<semaphore_mem>>) src(%arg3 : memref<80xf32, #tpu.memory_space<hbm>>) dst(%arg7 : memref<80xf32, #tpu.memory_space<vmem>>)
      tpu.yield
    }) : () -> ()
    "tpu.region"() ({
      %run_scoped3A = tpu.sem_alloc : memref<!tpu.dma_semaphore, #tpu.memory_space<semaphore_mem>>
      %dma_start3A = arith.constant 0 : i32
      %dma_start3A_13 = arith.constant 0 : i32
      %dma_start3A_14 = tpu.memref_slice %arg2[%arg0, %arg1, %dma_start3A, %dma_start3A_13] : memref<2x16x125x80xi32, #tpu.memory_space<hbm>> -> memref<1x1x125x80xi32, #tpu.memory_space<hbm>>
      %dma_start3A_15 = tpu.memref_squeeze %dma_start3A_14 : memref<1x1x125x80xi32, #tpu.memory_space<hbm>> -> memref<125x80xi32, #tpu.memory_space<hbm>>
      %dma_start3A_16 = arith.constant 0 : i32
      %dma_start3A_17 = arith.constant 0 : i32
      %dma_start3A_18 = tpu.memref_slice %arg2[%arg0, %arg1, %dma_start3A_16, %dma_start3A_17] : memref<2x16x125x80xi32, #tpu.memory_space<hbm>> -> memref<1x1x125x80xi32, #tpu.memory_space<hbm>>
      %dma_start3A_19 = tpu.memref_squeeze %dma_start3A_18 : memref<1x1x125x80xi32, #tpu.memory_space<hbm>> -> memref<125x80xi32, #tpu.memory_space<hbm>>
      tpu.enqueue_dma source(%dma_start3A_19 : memref<125x80xi32, #tpu.memory_space<hbm>>) target(%arg6 : memref<125x80xi32, #tpu.memory_space<vmem>>) target_semaphore(%run_scoped3A : memref<!tpu.dma_semaphore, #tpu.memory_space<semaphore_mem>>)
      %dma_wait3A = arith.constant 0 : i32
      %dma_wait3A_20 = arith.constant 0 : i32
      %dma_wait3A_21 = tpu.memref_slice %arg2[%arg0, %arg1, %dma_wait3A, %dma_wait3A_20] : memref<2x16x125x80xi32, #tpu.memory_space<hbm>> -> memref<1x1x125x80xi32, #tpu.memory_space<hbm>>
      %dma_wait3A_22 = tpu.memref_squeeze %dma_wait3A_21 : memref<1x1x125x80xi32, #tpu.memory_space<hbm>> -> memref<125x80xi32, #tpu.memory_space<hbm>>
      %dma_wait3A_23 = arith.constant 0 : i32
      %dma_wait3A_24 = arith.constant 0 : i32
      %dma_wait3A_25 = tpu.memref_slice %arg2[%arg0, %arg1, %dma_wait3A_23, %dma_wait3A_24] : memref<2x16x125x80xi32, #tpu.memory_space<hbm>> -> memref<1x1x125x80xi32, #tpu.memory_space<hbm>>
      %dma_wait3A_26 = tpu.memref_squeeze %dma_wait3A_25 : memref<1x1x125x80xi32, #tpu.memory_space<hbm>> -> memref<125x80xi32, #tpu.memory_space<hbm>>
      tpu.wait_dma2 semaphore(%run_scoped3A : memref<!tpu.dma_semaphore, #tpu.memory_space<semaphore_mem>>) src(%dma_wait3A_26 : memref<125x80xi32, #tpu.memory_space<hbm>>) dst(%arg6 : memref<125x80xi32, #tpu.memory_space<vmem>>)
      tpu.yield
    }) : () -> ()
    %barrier3A = arith.constant 0 : index
    tpu.barrier barrier_id(%barrier3A)
    %scan3A = arith.constant 0 : i32
    %scan3A_2 = arith.constant 0 : i32
    %scan3A_3 = arith.constant 125 : i32
    %scan3A_4 = arith.addi %scan3A_2, %scan3A_3 : i32
    %scan3A_5 = arith.constant 1 : i32
    scf.for %scan3A_13 = %scan3A_2 to %scan3A_4 step %scan3A_5  : i32 {
      "tpu.region"() ({
        %run_scoped3A = tpu.sem_alloc : memref<!tpu.dma_semaphore, #tpu.memory_space<semaphore_mem>>
        %dma_start3A = arith.constant 0 : i32
        %dma_start3A_14 = tpu.memref_slice %arg6[%scan3A_13, %dma_start3A] : memref<125x80xi32, #tpu.memory_space<vmem>> -> memref<1x80xi32, #tpu.memory_space<vmem>>
        %dma_start3A_15 = tpu.memref_squeeze %dma_start3A_14 : memref<1x80xi32, #tpu.memory_space<vmem>> -> memref<80xi32, #tpu.memory_space<vmem>>
        %dma_start3A_16 = arith.constant 0 : i32
        %dma_start3A_17 = tpu.memref_slice %arg8[%dma_start3A_16] : memref<10000xf32, #tpu.memory_space<vmem_shared>> -> memref<10000xf32, #tpu.memory_space<vmem_shared>>
        tpu.enqueue_indirect_dma source(%arg7 : memref<80xf32, #tpu.memory_space<vmem>>) target(%dma_start3A_17 : memref<10000xf32, #tpu.memory_space<vmem_shared>>) offsets(%dma_start3A_15 : memref<80xi32, #tpu.memory_space<vmem>>) semaphore(%run_scoped3A : memref<!tpu.dma_semaphore, #tpu.memory_space<semaphore_mem>>) {add = true}
        %dma_wait3A = arith.constant 0 : i32
        %dma_wait3A_18 = tpu.memref_slice %arg6[%scan3A_13, %dma_wait3A] : memref<125x80xi32, #tpu.memory_space<vmem>> -> memref<1x80xi32, #tpu.memory_space<vmem>>
        %dma_wait3A_19 = tpu.memref_squeeze %dma_wait3A_18 : memref<1x80xi32, #tpu.memory_space<vmem>> -> memref<80xi32, #tpu.memory_space<vmem>>
        %dma_wait3A_20 = arith.constant 0 : i32
        %dma_wait3A_21 = tpu.memref_slice %arg8[%dma_wait3A_20] : memref<10000xf32, #tpu.memory_space<vmem_shared>> -> memref<10000xf32, #tpu.memory_space<vmem_shared>>
        tpu.wait_indirect_dma semaphore(%run_scoped3A : memref<!tpu.dma_semaphore, #tpu.memory_space<semaphore_mem>>) src(%arg7 : memref<80xf32, #tpu.memory_space<vmem>>) dst(%dma_wait3A_21 : memref<10000xf32, #tpu.memory_space<vmem_shared>>)
        tpu.yield
      }) : () -> ()
    }
    %scan3A_6 = arith.constant 125 : i32
    %barrier3A_7 = arith.constant 0 : index
    tpu.barrier barrier_id(%barrier3A_7)
    %eq3A_8 = arith.constant 0 : i32
    %eq3A_9 = arith.cmpi eq, %arg1, %eq3A_8 : i32
    %convert_element_type3A_10 = arith.extui %eq3A_9 : i1 to i32
    %cond3A_11 = arith.constant 0 : i32
    %cond3A_12 = arith.cmpi ne, %convert_element_type3A_10, %cond3A_11 : i32
    scf.if %cond3A_12 {
      "tpu.region"() ({
        %run_scoped3A = tpu.sem_alloc : memref<!tpu.dma_semaphore, #tpu.memory_space<semaphore_mem>>
        %dma_start3A = arith.constant 0 : i32
        %dma_start3A_13 = tpu.memref_slice %arg5[%arg0, %dma_start3A] : memref<2x10000xf32, #tpu.memory_space<hbm>> -> memref<1x10000xf32, #tpu.memory_space<hbm>>
        %dma_start3A_14 = tpu.memref_squeeze %dma_start3A_13 : memref<1x10000xf32, #tpu.memory_space<hbm>> -> memref<10000xf32, #tpu.memory_space<hbm>>
        tpu.enqueue_dma source(%arg8 : memref<10000xf32, #tpu.memory_space<vmem_shared>>) target(%dma_start3A_14 : memref<10000xf32, #tpu.memory_space<hbm>>) target_semaphore(%run_scoped3A : memref<!tpu.dma_semaphore, #tpu.memory_space<semaphore_mem>>)
        %dma_wait3A = arith.constant 0 : i32
        %dma_wait3A_15 = tpu.memref_slice %arg5[%arg0, %dma_wait3A] : memref<2x10000xf32, #tpu.memory_space<hbm>> -> memref<1x10000xf32, #tpu.memory_space<hbm>>
        %dma_wait3A_16 = tpu.memref_squeeze %dma_wait3A_15 : memref<1x10000xf32, #tpu.memory_space<hbm>> -> memref<10000xf32, #tpu.memory_space<hbm>>
        tpu.wait_dma2 semaphore(%run_scoped3A : memref<!tpu.dma_semaphore, #tpu.memory_space<semaphore_mem>>) src(%arg8 : memref<10000xf32, #tpu.memory_space<vmem_shared>>) dst(%dma_wait3A_16 : memref<10000xf32, #tpu.memory_space<hbm>>)
        tpu.yield
      }) : () -> ()
    } else {
    }
    return
  }
}

#map = affine_map<(d0, d1) -> (0, 0, 0, 0)>
#map1 = affine_map<(d0, d1) -> (0, 0, 0)>
#map2 = affine_map<(d0, d1) -> (0, 0)>
module attributes {stable_mosaic.version = 14 : i64} {
  func.func @_agg_body(%arg0: i32, %arg1: i32, %arg2: memref<2x16x125x80xi32, #tpu.memory_space<hbm>>, %arg3: memref<2x16x125x80xi32, #tpu.memory_space<hbm>>, %arg4: memref<16x625x128xf32, #tpu.memory_space<hbm>>, %arg5: memref<10000x128xf32, #tpu.memory_space<hbm>>, %arg6: memref<625x128xf32, #tpu.memory_space<hbm>>, %arg7: memref<2x16x625x128xf32, #tpu.memory_space<hbm>>, %arg8: memref<2x80xi32, #tpu.memory_space<vmem>>, %arg9: memref<125x80xi32, #tpu.memory_space<vmem>>, %arg10: memref<80x128xf32, #tpu.memory_space<vmem>>, %arg11: memref<80x128xf32, #tpu.memory_space<vmem>>, %arg12: memref<10000x128xf32, #tpu.memory_space<vmem_shared>>, %arg13: memref<!tpu.dma_semaphore, #tpu.memory_space<semaphore_mem>>, %arg14: memref<!tpu.dma_semaphore, #tpu.memory_space<semaphore_mem>>) attributes {dimension_semantics = [#tpu.dimension_semantics<core_parallel>, #tpu.dimension_semantics<subcore_parallel>], iteration_bounds = array<i64: 2, 16>, scalar_prefetch = 0 : i64, scratch_operands = 7 : i64, tpu.core_type = #tpu.core_type<sc_vector_subcore>, window_params = [{transform_indices = #map}, {transform_indices = #map}, {transform_indices = #map1}, {transform_indices = #map2}, {transform_indices = #map2}, {transform_indices = #map}]} {
    %mul3A = arith.constant 625 : i32
    %mul3A_0 = arith.muli %arg1, %mul3A : i32
    %eq3A = arith.constant 0 : i32
    %eq3A_1 = arith.cmpi eq, %arg0, %eq3A : i32
    %convert_element_type3A = arith.extui %eq3A_1 : i1 to i32
    %cond3A = arith.constant 0 : i32
    %cond3A_2 = arith.cmpi ne, %convert_element_type3A, %cond3A : i32
    scf.if %cond3A_2 {
      "tpu.region"() ({
        %run_scoped3A_81 = tpu.sem_alloc : memref<!tpu.dma_semaphore, #tpu.memory_space<semaphore_mem>>
        %dma_start3A_82 = arith.constant 0 : i32
        %dma_start3A_83 = tpu.memref_slice %arg12[%mul3A_0, %dma_start3A_82] : memref<10000x128xf32, #tpu.memory_space<vmem_shared>> -> memref<625x128xf32, #tpu.memory_space<vmem_shared>>
        %dma_start3A_84 = arith.constant 0 : i32
        %dma_start3A_85 = arith.constant 0 : i32
        %dma_start3A_86 = tpu.memref_slice %arg4[%arg1, %dma_start3A_84, %dma_start3A_85] : memref<16x625x128xf32, #tpu.memory_space<hbm>> -> memref<1x625x128xf32, #tpu.memory_space<hbm>>
        %dma_start3A_87 = tpu.memref_squeeze %dma_start3A_86 : memref<1x625x128xf32, #tpu.memory_space<hbm>> -> memref<625x128xf32, #tpu.memory_space<hbm>>
        tpu.enqueue_dma source(%dma_start3A_87 : memref<625x128xf32, #tpu.memory_space<hbm>>) target(%dma_start3A_83 : memref<625x128xf32, #tpu.memory_space<vmem_shared>>) target_semaphore(%run_scoped3A_81 : memref<!tpu.dma_semaphore, #tpu.memory_space<semaphore_mem>>)
        %dma_wait3A_88 = arith.constant 0 : i32
        %dma_wait3A_89 = tpu.memref_slice %arg12[%mul3A_0, %dma_wait3A_88] : memref<10000x128xf32, #tpu.memory_space<vmem_shared>> -> memref<625x128xf32, #tpu.memory_space<vmem_shared>>
        %dma_wait3A_90 = arith.constant 0 : i32
        %dma_wait3A_91 = arith.constant 0 : i32
        %dma_wait3A_92 = tpu.memref_slice %arg4[%arg1, %dma_wait3A_90, %dma_wait3A_91] : memref<16x625x128xf32, #tpu.memory_space<hbm>> -> memref<1x625x128xf32, #tpu.memory_space<hbm>>
        %dma_wait3A_93 = tpu.memref_squeeze %dma_wait3A_92 : memref<1x625x128xf32, #tpu.memory_space<hbm>> -> memref<625x128xf32, #tpu.memory_space<hbm>>
        tpu.wait_dma2 semaphore(%run_scoped3A_81 : memref<!tpu.dma_semaphore, #tpu.memory_space<semaphore_mem>>) src(%dma_wait3A_93 : memref<625x128xf32, #tpu.memory_space<hbm>>) dst(%dma_wait3A_89 : memref<625x128xf32, #tpu.memory_space<vmem_shared>>)
        tpu.yield
      }) : () -> ()
    } else {
    }
    %ne3A = arith.constant 0 : i32
    %ne3A_3 = arith.cmpi ne, %arg0, %ne3A : i32
    %convert_element_type3A_4 = arith.extui %ne3A_3 : i1 to i32
    %cond3A_5 = arith.constant 0 : i32
    %cond3A_6 = arith.cmpi ne, %convert_element_type3A_4, %cond3A_5 : i32
    scf.if %cond3A_6 {
      "tpu.region"() ({
        %run_scoped3A_81 = tpu.sem_alloc : memref<!tpu.dma_semaphore, #tpu.memory_space<semaphore_mem>>
        %dma_start3A_82 = arith.constant 0 : i32
        %dma_start3A_83 = tpu.memref_slice %arg12[%mul3A_0, %dma_start3A_82] : memref<10000x128xf32, #tpu.memory_space<vmem_shared>> -> memref<625x128xf32, #tpu.memory_space<vmem_shared>>
        tpu.enqueue_dma source(%arg6 : memref<625x128xf32, #tpu.memory_space<hbm>>) target(%dma_start3A_83 : memref<625x128xf32, #tpu.memory_space<vmem_shared>>) target_semaphore(%run_scoped3A_81 : memref<!tpu.dma_semaphore, #tpu.memory_space<semaphore_mem>>)
        %dma_wait3A_84 = arith.constant 0 : i32
        %dma_wait3A_85 = tpu.memref_slice %arg12[%mul3A_0, %dma_wait3A_84] : memref<10000x128xf32, #tpu.memory_space<vmem_shared>> -> memref<625x128xf32, #tpu.memory_space<vmem_shared>>
        tpu.wait_dma2 semaphore(%run_scoped3A_81 : memref<!tpu.dma_semaphore, #tpu.memory_space<semaphore_mem>>) src(%arg6 : memref<625x128xf32, #tpu.memory_space<hbm>>) dst(%dma_wait3A_85 : memref<625x128xf32, #tpu.memory_space<vmem_shared>>)
        tpu.yield
      }) : () -> ()
    } else {
    }
    "tpu.region"() ({
      %run_scoped3A_81 = tpu.sem_alloc : memref<!tpu.dma_semaphore, #tpu.memory_space<semaphore_mem>>
      %dma_start3A_82 = arith.constant 0 : i32
      %dma_start3A_83 = arith.constant 0 : i32
      %dma_start3A_84 = tpu.memref_slice %arg3[%arg0, %arg1, %dma_start3A_82, %dma_start3A_83] : memref<2x16x125x80xi32, #tpu.memory_space<hbm>> -> memref<1x1x125x80xi32, #tpu.memory_space<hbm>>
      %dma_start3A_85 = tpu.memref_squeeze %dma_start3A_84 : memref<1x1x125x80xi32, #tpu.memory_space<hbm>> -> memref<125x80xi32, #tpu.memory_space<hbm>>
      %dma_start3A_86 = arith.constant 0 : i32
      %dma_start3A_87 = arith.constant 0 : i32
      %dma_start3A_88 = tpu.memref_slice %arg3[%arg0, %arg1, %dma_start3A_86, %dma_start3A_87] : memref<2x16x125x80xi32, #tpu.memory_space<hbm>> -> memref<1x1x125x80xi32, #tpu.memory_space<hbm>>
      %dma_start3A_89 = tpu.memref_squeeze %dma_start3A_88 : memref<1x1x125x80xi32, #tpu.memory_space<hbm>> -> memref<125x80xi32, #tpu.memory_space<hbm>>
      tpu.enqueue_dma source(%dma_start3A_89 : memref<125x80xi32, #tpu.memory_space<hbm>>) target(%arg9 : memref<125x80xi32, #tpu.memory_space<vmem>>) target_semaphore(%run_scoped3A_81 : memref<!tpu.dma_semaphore, #tpu.memory_space<semaphore_mem>>)
      %dma_wait3A_90 = arith.constant 0 : i32
      %dma_wait3A_91 = arith.constant 0 : i32
      %dma_wait3A_92 = tpu.memref_slice %arg3[%arg0, %arg1, %dma_wait3A_90, %dma_wait3A_91] : memref<2x16x125x80xi32, #tpu.memory_space<hbm>> -> memref<1x1x125x80xi32, #tpu.memory_space<hbm>>
      %dma_wait3A_93 = tpu.memref_squeeze %dma_wait3A_92 : memref<1x1x125x80xi32, #tpu.memory_space<hbm>> -> memref<125x80xi32, #tpu.memory_space<hbm>>
      %dma_wait3A_94 = arith.constant 0 : i32
      %dma_wait3A_95 = arith.constant 0 : i32
      %dma_wait3A_96 = tpu.memref_slice %arg3[%arg0, %arg1, %dma_wait3A_94, %dma_wait3A_95] : memref<2x16x125x80xi32, #tpu.memory_space<hbm>> -> memref<1x1x125x80xi32, #tpu.memory_space<hbm>>
      %dma_wait3A_97 = tpu.memref_squeeze %dma_wait3A_96 : memref<1x1x125x80xi32, #tpu.memory_space<hbm>> -> memref<125x80xi32, #tpu.memory_space<hbm>>
      tpu.wait_dma2 semaphore(%run_scoped3A_81 : memref<!tpu.dma_semaphore, #tpu.memory_space<semaphore_mem>>) src(%dma_wait3A_97 : memref<125x80xi32, #tpu.memory_space<hbm>>) dst(%arg9 : memref<125x80xi32, #tpu.memory_space<vmem>>)
      tpu.yield
    }) : () -> ()
    %dma_start3A = arith.constant 0 : i32
    %dma_start3A_7 = arith.constant 0 : i32
    %dma_start3A_8 = arith.constant 0 : i32
    %dma_start3A_9 = tpu.memref_slice %arg8[%dma_start3A_7, %dma_start3A_8] : memref<2x80xi32, #tpu.memory_space<vmem>> -> memref<1x80xi32, #tpu.memory_space<vmem>>
    %dma_start3A_10 = tpu.memref_squeeze %dma_start3A_9 : memref<1x80xi32, #tpu.memory_space<vmem>> -> memref<80xi32, #tpu.memory_space<vmem>>
    %dma_start3A_11 = arith.constant 0 : i32
    %dma_start3A_12 = tpu.memref_slice %arg2[%arg0, %arg1, %dma_start3A, %dma_start3A_11] : memref<2x16x125x80xi32, #tpu.memory_space<hbm>> -> memref<1x1x1x80xi32, #tpu.memory_space<hbm>>
    %dma_start3A_13 = tpu.memref_squeeze %dma_start3A_12 : memref<1x1x1x80xi32, #tpu.memory_space<hbm>> -> memref<80xi32, #tpu.memory_space<hbm>>
    %dma_start3A_14 = arith.constant 0 : i32
    %dma_start3A_15 = tpu.memref_slice %arg8[%dma_start3A_7, %dma_start3A_14] : memref<2x80xi32, #tpu.memory_space<vmem>> -> memref<1x80xi32, #tpu.memory_space<vmem>>
    %dma_start3A_16 = tpu.memref_squeeze %dma_start3A_15 : memref<1x80xi32, #tpu.memory_space<vmem>> -> memref<80xi32, #tpu.memory_space<vmem>>
    %dma_start3A_17 = arith.constant 0 : i32
    %dma_start3A_18 = tpu.memref_slice %arg2[%arg0, %arg1, %dma_start3A, %dma_start3A_17] : memref<2x16x125x80xi32, #tpu.memory_space<hbm>> -> memref<1x1x1x80xi32, #tpu.memory_space<hbm>>
    %dma_start3A_19 = tpu.memref_squeeze %dma_start3A_18 : memref<1x1x1x80xi32, #tpu.memory_space<hbm>> -> memref<80xi32, #tpu.memory_space<hbm>>
    tpu.enqueue_dma source(%dma_start3A_19 : memref<80xi32, #tpu.memory_space<hbm>>) target(%dma_start3A_16 : memref<80xi32, #tpu.memory_space<vmem>>) target_semaphore(%arg14 : memref<!tpu.dma_semaphore, #tpu.memory_space<semaphore_mem>>)
    %dma_start3A_20 = arith.constant 1 : i32
    %dma_start3A_21 = arith.constant 1 : i32
    %dma_start3A_22 = arith.constant 0 : i32
    %dma_start3A_23 = tpu.memref_slice %arg8[%dma_start3A_21, %dma_start3A_22] : memref<2x80xi32, #tpu.memory_space<vmem>> -> memref<1x80xi32, #tpu.memory_space<vmem>>
    %dma_start3A_24 = tpu.memref_squeeze %dma_start3A_23 : memref<1x80xi32, #tpu.memory_space<vmem>> -> memref<80xi32, #tpu.memory_space<vmem>>
    %dma_start3A_25 = arith.constant 0 : i32
    %dma_start3A_26 = tpu.memref_slice %arg2[%arg0, %arg1, %dma_start3A_20, %dma_start3A_25] : memref<2x16x125x80xi32, #tpu.memory_space<hbm>> -> memref<1x1x1x80xi32, #tpu.memory_space<hbm>>
    %dma_start3A_27 = tpu.memref_squeeze %dma_start3A_26 : memref<1x1x1x80xi32, #tpu.memory_space<hbm>> -> memref<80xi32, #tpu.memory_space<hbm>>
    %dma_start3A_28 = arith.constant 0 : i32
    %dma_start3A_29 = tpu.memref_slice %arg8[%dma_start3A_21, %dma_start3A_28] : memref<2x80xi32, #tpu.memory_space<vmem>> -> memref<1x80xi32, #tpu.memory_space<vmem>>
    %dma_start3A_30 = tpu.memref_squeeze %dma_start3A_29 : memref<1x80xi32, #tpu.memory_space<vmem>> -> memref<80xi32, #tpu.memory_space<vmem>>
    %dma_start3A_31 = arith.constant 0 : i32
    %dma_start3A_32 = tpu.memref_slice %arg2[%arg0, %arg1, %dma_start3A_20, %dma_start3A_31] : memref<2x16x125x80xi32, #tpu.memory_space<hbm>> -> memref<1x1x1x80xi32, #tpu.memory_space<hbm>>
    %dma_start3A_33 = tpu.memref_squeeze %dma_start3A_32 : memref<1x1x1x80xi32, #tpu.memory_space<hbm>> -> memref<80xi32, #tpu.memory_space<hbm>>
    tpu.enqueue_dma source(%dma_start3A_33 : memref<80xi32, #tpu.memory_space<hbm>>) target(%dma_start3A_30 : memref<80xi32, #tpu.memory_space<vmem>>) target_semaphore(%arg14 : memref<!tpu.dma_semaphore, #tpu.memory_space<semaphore_mem>>)
    %dma_wait3A = arith.constant 0 : i32
    %dma_wait3A_34 = arith.constant 0 : i32
    %dma_wait3A_35 = arith.constant 0 : i32
    %dma_wait3A_36 = tpu.memref_slice %arg8[%dma_wait3A_34, %dma_wait3A_35] : memref<2x80xi32, #tpu.memory_space<vmem>> -> memref<1x80xi32, #tpu.memory_space<vmem>>
    %dma_wait3A_37 = tpu.memref_squeeze %dma_wait3A_36 : memref<1x80xi32, #tpu.memory_space<vmem>> -> memref<80xi32, #tpu.memory_space<vmem>>
    %dma_wait3A_38 = arith.constant 0 : i32
    %dma_wait3A_39 = tpu.memref_slice %arg2[%arg0, %arg1, %dma_wait3A, %dma_wait3A_38] : memref<2x16x125x80xi32, #tpu.memory_space<hbm>> -> memref<1x1x1x80xi32, #tpu.memory_space<hbm>>
    %dma_wait3A_40 = tpu.memref_squeeze %dma_wait3A_39 : memref<1x1x1x80xi32, #tpu.memory_space<hbm>> -> memref<80xi32, #tpu.memory_space<hbm>>
    %dma_wait3A_41 = arith.constant 0 : i32
    %dma_wait3A_42 = tpu.memref_slice %arg8[%dma_wait3A_34, %dma_wait3A_41] : memref<2x80xi32, #tpu.memory_space<vmem>> -> memref<1x80xi32, #tpu.memory_space<vmem>>
    %dma_wait3A_43 = tpu.memref_squeeze %dma_wait3A_42 : memref<1x80xi32, #tpu.memory_space<vmem>> -> memref<80xi32, #tpu.memory_space<vmem>>
    %dma_wait3A_44 = arith.constant 0 : i32
    %dma_wait3A_45 = tpu.memref_slice %arg2[%arg0, %arg1, %dma_wait3A, %dma_wait3A_44] : memref<2x16x125x80xi32, #tpu.memory_space<hbm>> -> memref<1x1x1x80xi32, #tpu.memory_space<hbm>>
    %dma_wait3A_46 = tpu.memref_squeeze %dma_wait3A_45 : memref<1x1x1x80xi32, #tpu.memory_space<hbm>> -> memref<80xi32, #tpu.memory_space<hbm>>
    tpu.wait_dma2 semaphore(%arg14 : memref<!tpu.dma_semaphore, #tpu.memory_space<semaphore_mem>>) src(%dma_wait3A_46 : memref<80xi32, #tpu.memory_space<hbm>>) dst(%dma_wait3A_43 : memref<80xi32, #tpu.memory_space<vmem>>)
    %dma_wait3A_47 = arith.constant 0 : i32
    %dma_wait3A_48 = arith.constant 0 : i32
    %dma_wait3A_49 = arith.constant 0 : i32
    %dma_wait3A_50 = tpu.memref_slice %arg8[%dma_wait3A_48, %dma_wait3A_49] : memref<2x80xi32, #tpu.memory_space<vmem>> -> memref<1x80xi32, #tpu.memory_space<vmem>>
    %dma_wait3A_51 = tpu.memref_squeeze %dma_wait3A_50 : memref<1x80xi32, #tpu.memory_space<vmem>> -> memref<80xi32, #tpu.memory_space<vmem>>
    %dma_wait3A_52 = arith.constant 0 : i32
    %dma_wait3A_53 = tpu.memref_slice %arg2[%arg0, %arg1, %dma_wait3A_47, %dma_wait3A_52] : memref<2x16x125x80xi32, #tpu.memory_space<hbm>> -> memref<1x1x1x80xi32, #tpu.memory_space<hbm>>
    %dma_wait3A_54 = tpu.memref_squeeze %dma_wait3A_53 : memref<1x1x1x80xi32, #tpu.memory_space<hbm>> -> memref<80xi32, #tpu.memory_space<hbm>>
    %dma_wait3A_55 = arith.constant 0 : i32
    %dma_wait3A_56 = tpu.memref_slice %arg8[%dma_wait3A_48, %dma_wait3A_55] : memref<2x80xi32, #tpu.memory_space<vmem>> -> memref<1x80xi32, #tpu.memory_space<vmem>>
    %dma_wait3A_57 = tpu.memref_squeeze %dma_wait3A_56 : memref<1x80xi32, #tpu.memory_space<vmem>> -> memref<80xi32, #tpu.memory_space<vmem>>
    %dma_wait3A_58 = arith.constant 0 : i32
    %dma_wait3A_59 = tpu.memref_slice %arg2[%arg0, %arg1, %dma_wait3A_47, %dma_wait3A_58] : memref<2x16x125x80xi32, #tpu.memory_space<hbm>> -> memref<1x1x1x80xi32, #tpu.memory_space<hbm>>
    %dma_wait3A_60 = tpu.memref_squeeze %dma_wait3A_59 : memref<1x1x1x80xi32, #tpu.memory_space<hbm>> -> memref<80xi32, #tpu.memory_space<hbm>>
    tpu.wait_dma2 semaphore(%arg14 : memref<!tpu.dma_semaphore, #tpu.memory_space<semaphore_mem>>) src(%dma_wait3A_60 : memref<80xi32, #tpu.memory_space<hbm>>) dst(%dma_wait3A_57 : memref<80xi32, #tpu.memory_space<vmem>>)
    %barrier3A = arith.constant 0 : index
    tpu.barrier barrier_id(%barrier3A)
    %dma_start3A_61 = arith.constant 0 : i32
    %dma_start3A_62 = arith.constant 0 : i32
    %dma_start3A_63 = tpu.memref_slice %arg8[%dma_start3A_61, %dma_start3A_62] : memref<2x80xi32, #tpu.memory_space<vmem>> -> memref<1x80xi32, #tpu.memory_space<vmem>>
    %dma_start3A_64 = tpu.memref_squeeze %dma_start3A_63 : memref<1x80xi32, #tpu.memory_space<vmem>> -> memref<80xi32, #tpu.memory_space<vmem>>
    %dma_start3A_65 = arith.constant 0 : i32
    %dma_start3A_66 = arith.constant 0 : i32
    %dma_start3A_67 = tpu.memref_slice %arg5[%dma_start3A_65, %dma_start3A_66] : memref<10000x128xf32, #tpu.memory_space<hbm>> -> memref<10000x128xf32, #tpu.memory_space<hbm>>
    tpu.enqueue_indirect_dma source(%dma_start3A_67 : memref<10000x128xf32, #tpu.memory_space<hbm>>) target(%arg10 : memref<80x128xf32, #tpu.memory_space<vmem>>) offsets(%dma_start3A_64 : memref<80xi32, #tpu.memory_space<vmem>>) semaphore(%arg13 : memref<!tpu.dma_semaphore, #tpu.memory_space<semaphore_mem>>)
    %scan3A = arith.constant 0 : i32
    %scan3A_68 = arith.constant 0 : i32
    %scan3A_69 = arith.constant 62 : i32
    %scan3A_70 = arith.addi %scan3A_68, %scan3A_69 : i32
    %scan3A_71 = arith.constant 1 : i32
    scf.for %scan3A_81 = %scan3A_68 to %scan3A_70 step %scan3A_71  : i32 {
      %mul3A_82 = arith.constant 2 : i32
      %mul3A_83 = arith.muli %mul3A_82, %scan3A_81 : i32
      %dma_wait3A_84 = arith.constant 0 : i32
      %dma_wait3A_85 = arith.constant 0 : i32
      %dma_wait3A_86 = tpu.memref_slice %arg8[%dma_wait3A_84, %dma_wait3A_85] : memref<2x80xi32, #tpu.memory_space<vmem>> -> memref<1x80xi32, #tpu.memory_space<vmem>>
      %dma_wait3A_87 = tpu.memref_squeeze %dma_wait3A_86 : memref<1x80xi32, #tpu.memory_space<vmem>> -> memref<80xi32, #tpu.memory_space<vmem>>
      %dma_wait3A_88 = arith.constant 0 : i32
      %dma_wait3A_89 = arith.constant 0 : i32
      %dma_wait3A_90 = tpu.memref_slice %arg5[%dma_wait3A_88, %dma_wait3A_89] : memref<10000x128xf32, #tpu.memory_space<hbm>> -> memref<10000x128xf32, #tpu.memory_space<hbm>>
      tpu.wait_indirect_dma semaphore(%arg13 : memref<!tpu.dma_semaphore, #tpu.memory_space<semaphore_mem>>) src(%dma_wait3A_90 : memref<10000x128xf32, #tpu.memory_space<hbm>>) dst(%arg10 : memref<80x128xf32, #tpu.memory_space<vmem>>)
      %dma_start3A_91 = arith.constant 1 : i32
      %dma_start3A_92 = arith.constant 0 : i32
      %dma_start3A_93 = tpu.memref_slice %arg8[%dma_start3A_91, %dma_start3A_92] : memref<2x80xi32, #tpu.memory_space<vmem>> -> memref<1x80xi32, #tpu.memory_space<vmem>>
      %dma_start3A_94 = tpu.memref_squeeze %dma_start3A_93 : memref<1x80xi32, #tpu.memory_space<vmem>> -> memref<80xi32, #tpu.memory_space<vmem>>
      %dma_start3A_95 = arith.constant 0 : i32
      %dma_start3A_96 = arith.constant 0 : i32
      %dma_start3A_97 = tpu.memref_slice %arg5[%dma_start3A_95, %dma_start3A_96] : memref<10000x128xf32, #tpu.memory_space<hbm>> -> memref<10000x128xf32, #tpu.memory_space<hbm>>
      tpu.enqueue_indirect_dma source(%dma_start3A_97 : memref<10000x128xf32, #tpu.memory_space<hbm>>) target(%arg11 : memref<80x128xf32, #tpu.memory_space<vmem>>) offsets(%dma_start3A_94 : memref<80xi32, #tpu.memory_space<vmem>>) semaphore(%arg13 : memref<!tpu.dma_semaphore, #tpu.memory_space<semaphore_mem>>)
      %add3A = arith.constant 2 : i32
      %add3A_98 = arith.addi %mul3A_83, %add3A : i32
      %dma_start3A_99 = arith.constant 0 : i32
      %dma_start3A_100 = arith.constant 0 : i32
      %dma_start3A_101 = tpu.memref_slice %arg8[%dma_start3A_99, %dma_start3A_100] : memref<2x80xi32, #tpu.memory_space<vmem>> -> memref<1x80xi32, #tpu.memory_space<vmem>>
      %dma_start3A_102 = tpu.memref_squeeze %dma_start3A_101 : memref<1x80xi32, #tpu.memory_space<vmem>> -> memref<80xi32, #tpu.memory_space<vmem>>
      %dma_start3A_103 = arith.constant 0 : i32
      %dma_start3A_104 = tpu.memref_slice %arg2[%arg0, %arg1, %add3A_98, %dma_start3A_103] : memref<2x16x125x80xi32, #tpu.memory_space<hbm>> -> memref<1x1x1x80xi32, #tpu.memory_space<hbm>>
      %dma_start3A_105 = tpu.memref_squeeze %dma_start3A_104 : memref<1x1x1x80xi32, #tpu.memory_space<hbm>> -> memref<80xi32, #tpu.memory_space<hbm>>
      %dma_start3A_106 = arith.constant 0 : i32
      %dma_start3A_107 = tpu.memref_slice %arg8[%dma_start3A_99, %dma_start3A_106] : memref<2x80xi32, #tpu.memory_space<vmem>> -> memref<1x80xi32, #tpu.memory_space<vmem>>
      %dma_start3A_108 = tpu.memref_squeeze %dma_start3A_107 : memref<1x80xi32, #tpu.memory_space<vmem>> -> memref<80xi32, #tpu.memory_space<vmem>>
      %dma_start3A_109 = arith.constant 0 : i32
      %dma_start3A_110 = tpu.memref_slice %arg2[%arg0, %arg1, %add3A_98, %dma_start3A_109] : memref<2x16x125x80xi32, #tpu.memory_space<hbm>> -> memref<1x1x1x80xi32, #tpu.memory_space<hbm>>
      %dma_start3A_111 = tpu.memref_squeeze %dma_start3A_110 : memref<1x1x1x80xi32, #tpu.memory_space<hbm>> -> memref<80xi32, #tpu.memory_space<hbm>>
      tpu.enqueue_dma source(%dma_start3A_111 : memref<80xi32, #tpu.memory_space<hbm>>) target(%dma_start3A_108 : memref<80xi32, #tpu.memory_space<vmem>>) target_semaphore(%arg14 : memref<!tpu.dma_semaphore, #tpu.memory_space<semaphore_mem>>)
      "tpu.region"() ({
        %run_scoped3A_151 = tpu.sem_alloc : memref<!tpu.dma_semaphore, #tpu.memory_space<semaphore_mem>>
        %dma_start3A_152 = arith.constant 0 : i32
        %dma_start3A_153 = tpu.memref_slice %arg9[%mul3A_83, %dma_start3A_152] : memref<125x80xi32, #tpu.memory_space<vmem>> -> memref<1x80xi32, #tpu.memory_space<vmem>>
        %dma_start3A_154 = tpu.memref_squeeze %dma_start3A_153 : memref<1x80xi32, #tpu.memory_space<vmem>> -> memref<80xi32, #tpu.memory_space<vmem>>
        %dma_start3A_155 = arith.constant 0 : i32
        %dma_start3A_156 = arith.constant 0 : i32
        %dma_start3A_157 = tpu.memref_slice %arg12[%dma_start3A_155, %dma_start3A_156] : memref<10000x128xf32, #tpu.memory_space<vmem_shared>> -> memref<10000x128xf32, #tpu.memory_space<vmem_shared>>
        tpu.enqueue_indirect_dma source(%arg10 : memref<80x128xf32, #tpu.memory_space<vmem>>) target(%dma_start3A_157 : memref<10000x128xf32, #tpu.memory_space<vmem_shared>>) offsets(%dma_start3A_154 : memref<80xi32, #tpu.memory_space<vmem>>) semaphore(%run_scoped3A_151 : memref<!tpu.dma_semaphore, #tpu.memory_space<semaphore_mem>>) {add = true}
        %dma_wait3A_158 = arith.constant 0 : i32
        %dma_wait3A_159 = tpu.memref_slice %arg9[%mul3A_83, %dma_wait3A_158] : memref<125x80xi32, #tpu.memory_space<vmem>> -> memref<1x80xi32, #tpu.memory_space<vmem>>
        %dma_wait3A_160 = tpu.memref_squeeze %dma_wait3A_159 : memref<1x80xi32, #tpu.memory_space<vmem>> -> memref<80xi32, #tpu.memory_space<vmem>>
        %dma_wait3A_161 = arith.constant 0 : i32
        %dma_wait3A_162 = arith.constant 0 : i32
        %dma_wait3A_163 = tpu.memref_slice %arg12[%dma_wait3A_161, %dma_wait3A_162] : memref<10000x128xf32, #tpu.memory_space<vmem_shared>> -> memref<10000x128xf32, #tpu.memory_space<vmem_shared>>
        tpu.wait_indirect_dma semaphore(%run_scoped3A_151 : memref<!tpu.dma_semaphore, #tpu.memory_space<semaphore_mem>>) src(%arg10 : memref<80x128xf32, #tpu.memory_space<vmem>>) dst(%dma_wait3A_163 : memref<10000x128xf32, #tpu.memory_space<vmem_shared>>)
        tpu.yield
      }) : () -> ()
      %dma_wait3A_112 = arith.constant 0 : i32
      %dma_wait3A_113 = arith.constant 0 : i32
      %dma_wait3A_114 = arith.constant 0 : i32
      %dma_wait3A_115 = tpu.memref_slice %arg8[%dma_wait3A_113, %dma_wait3A_114] : memref<2x80xi32, #tpu.memory_space<vmem>> -> memref<1x80xi32, #tpu.memory_space<vmem>>
      %dma_wait3A_116 = tpu.memref_squeeze %dma_wait3A_115 : memref<1x80xi32, #tpu.memory_space<vmem>> -> memref<80xi32, #tpu.memory_space<vmem>>
      %dma_wait3A_117 = arith.constant 0 : i32
      %dma_wait3A_118 = tpu.memref_slice %arg2[%arg0, %arg1, %dma_wait3A_112, %dma_wait3A_117] : memref<2x16x125x80xi32, #tpu.memory_space<hbm>> -> memref<1x1x1x80xi32, #tpu.memory_space<hbm>>
      %dma_wait3A_119 = tpu.memref_squeeze %dma_wait3A_118 : memref<1x1x1x80xi32, #tpu.memory_space<hbm>> -> memref<80xi32, #tpu.memory_space<hbm>>
      %dma_wait3A_120 = arith.constant 0 : i32
      %dma_wait3A_121 = tpu.memref_slice %arg8[%dma_wait3A_113, %dma_wait3A_120] : memref<2x80xi32, #tpu.memory_space<vmem>> -> memref<1x80xi32, #tpu.memory_space<vmem>>
      %dma_wait3A_122 = tpu.memref_squeeze %dma_wait3A_121 : memref<1x80xi32, #tpu.memory_space<vmem>> -> memref<80xi32, #tpu.memory_space<vmem>>
      %dma_wait3A_123 = arith.constant 0 : i32
      %dma_wait3A_124 = tpu.memref_slice %arg2[%arg0, %arg1, %dma_wait3A_112, %dma_wait3A_123] : memref<2x16x125x80xi32, #tpu.memory_space<hbm>> -> memref<1x1x1x80xi32, #tpu.memory_space<hbm>>
      %dma_wait3A_125 = tpu.memref_squeeze %dma_wait3A_124 : memref<1x1x1x80xi32, #tpu.memory_space<hbm>> -> memref<80xi32, #tpu.memory_space<hbm>>
      tpu.wait_dma2 semaphore(%arg14 : memref<!tpu.dma_semaphore, #tpu.memory_space<semaphore_mem>>) src(%dma_wait3A_125 : memref<80xi32, #tpu.memory_space<hbm>>) dst(%dma_wait3A_122 : memref<80xi32, #tpu.memory_space<vmem>>)
      %dma_wait3A_126 = arith.constant 0 : i32
      %dma_wait3A_127 = arith.constant 0 : i32
      %dma_wait3A_128 = tpu.memref_slice %arg8[%dma_wait3A_126, %dma_wait3A_127] : memref<2x80xi32, #tpu.memory_space<vmem>> -> memref<1x80xi32, #tpu.memory_space<vmem>>
      %dma_wait3A_129 = tpu.memref_squeeze %dma_wait3A_128 : memref<1x80xi32, #tpu.memory_space<vmem>> -> memref<80xi32, #tpu.memory_space<vmem>>
      %dma_wait3A_130 = arith.constant 0 : i32
      %dma_wait3A_131 = arith.constant 0 : i32
      %dma_wait3A_132 = tpu.memref_slice %arg5[%dma_wait3A_130, %dma_wait3A_131] : memref<10000x128xf32, #tpu.memory_space<hbm>> -> memref<10000x128xf32, #tpu.memory_space<hbm>>
      tpu.wait_indirect_dma semaphore(%arg13 : memref<!tpu.dma_semaphore, #tpu.memory_space<semaphore_mem>>) src(%dma_wait3A_132 : memref<10000x128xf32, #tpu.memory_space<hbm>>) dst(%arg11 : memref<80x128xf32, #tpu.memory_space<vmem>>)
      %dma_start3A_133 = arith.constant 0 : i32
      %dma_start3A_134 = arith.constant 0 : i32
      %dma_start3A_135 = tpu.memref_slice %arg8[%dma_start3A_133, %dma_start3A_134] : memref<2x80xi32, #tpu.memory_space<vmem>> -> memref<1x80xi32, #tpu.memory_space<vmem>>
      %dma_start3A_136 = tpu.memref_squeeze %dma_start3A_135 : memref<1x80xi32, #tpu.memory_space<vmem>> -> memref<80xi32, #tpu.memory_space<vmem>>
      %dma_start3A_137 = arith.constant 0 : i32
      %dma_start3A_138 = arith.constant 0 : i32
      %dma_start3A_139 = tpu.memref_slice %arg5[%dma_start3A_137, %dma_start3A_138] : memref<10000x128xf32, #tpu.memory_space<hbm>> -> memref<10000x128xf32, #tpu.memory_space<hbm>>
      tpu.enqueue_indirect_dma source(%dma_start3A_139 : memref<10000x128xf32, #tpu.memory_space<hbm>>) target(%arg10 : memref<80x128xf32, #tpu.memory_space<vmem>>) offsets(%dma_start3A_136 : memref<80xi32, #tpu.memory_space<vmem>>) semaphore(%arg13 : memref<!tpu.dma_semaphore, #tpu.memory_space<semaphore_mem>>)
      %lt3A = arith.constant 61 : i32
      %lt3A_140 = arith.cmpi slt, %scan3A_81, %lt3A : i32
      %convert_element_type3A_141 = arith.extui %lt3A_140 : i1 to i32
      %cond3A_142 = arith.constant 0 : i32
      %cond3A_143 = arith.cmpi ne, %convert_element_type3A_141, %cond3A_142 : i32
      scf.if %cond3A_143 {
        %add3A_151 = arith.constant 3 : i32
        %add3A_152 = arith.addi %mul3A_83, %add3A_151 : i32
        %dma_start3A_153 = arith.constant 1 : i32
        %dma_start3A_154 = arith.constant 0 : i32
        %dma_start3A_155 = tpu.memref_slice %arg8[%dma_start3A_153, %dma_start3A_154] : memref<2x80xi32, #tpu.memory_space<vmem>> -> memref<1x80xi32, #tpu.memory_space<vmem>>
        %dma_start3A_156 = tpu.memref_squeeze %dma_start3A_155 : memref<1x80xi32, #tpu.memory_space<vmem>> -> memref<80xi32, #tpu.memory_space<vmem>>
        %dma_start3A_157 = arith.constant 0 : i32
        %dma_start3A_158 = tpu.memref_slice %arg2[%arg0, %arg1, %add3A_152, %dma_start3A_157] : memref<2x16x125x80xi32, #tpu.memory_space<hbm>> -> memref<1x1x1x80xi32, #tpu.memory_space<hbm>>
        %dma_start3A_159 = tpu.memref_squeeze %dma_start3A_158 : memref<1x1x1x80xi32, #tpu.memory_space<hbm>> -> memref<80xi32, #tpu.memory_space<hbm>>
        %dma_start3A_160 = arith.constant 0 : i32
        %dma_start3A_161 = tpu.memref_slice %arg8[%dma_start3A_153, %dma_start3A_160] : memref<2x80xi32, #tpu.memory_space<vmem>> -> memref<1x80xi32, #tpu.memory_space<vmem>>
        %dma_start3A_162 = tpu.memref_squeeze %dma_start3A_161 : memref<1x80xi32, #tpu.memory_space<vmem>> -> memref<80xi32, #tpu.memory_space<vmem>>
        %dma_start3A_163 = arith.constant 0 : i32
        %dma_start3A_164 = tpu.memref_slice %arg2[%arg0, %arg1, %add3A_152, %dma_start3A_163] : memref<2x16x125x80xi32, #tpu.memory_space<hbm>> -> memref<1x1x1x80xi32, #tpu.memory_space<hbm>>
        %dma_start3A_165 = tpu.memref_squeeze %dma_start3A_164 : memref<1x1x1x80xi32, #tpu.memory_space<hbm>> -> memref<80xi32, #tpu.memory_space<hbm>>
        tpu.enqueue_dma source(%dma_start3A_165 : memref<80xi32, #tpu.memory_space<hbm>>) target(%dma_start3A_162 : memref<80xi32, #tpu.memory_space<vmem>>) target_semaphore(%arg14 : memref<!tpu.dma_semaphore, #tpu.memory_space<semaphore_mem>>)
      } else {
      }
      %add3A_144 = arith.constant 1 : i32
      %add3A_145 = arith.addi %mul3A_83, %add3A_144 : i32
      "tpu.region"() ({
        %run_scoped3A_151 = tpu.sem_alloc : memref<!tpu.dma_semaphore, #tpu.memory_space<semaphore_mem>>
        %dma_start3A_152 = arith.constant 0 : i32
        %dma_start3A_153 = tpu.memref_slice %arg9[%add3A_145, %dma_start3A_152] : memref<125x80xi32, #tpu.memory_space<vmem>> -> memref<1x80xi32, #tpu.memory_space<vmem>>
        %dma_start3A_154 = tpu.memref_squeeze %dma_start3A_153 : memref<1x80xi32, #tpu.memory_space<vmem>> -> memref<80xi32, #tpu.memory_space<vmem>>
        %dma_start3A_155 = arith.constant 0 : i32
        %dma_start3A_156 = arith.constant 0 : i32
        %dma_start3A_157 = tpu.memref_slice %arg12[%dma_start3A_155, %dma_start3A_156] : memref<10000x128xf32, #tpu.memory_space<vmem_shared>> -> memref<10000x128xf32, #tpu.memory_space<vmem_shared>>
        tpu.enqueue_indirect_dma source(%arg11 : memref<80x128xf32, #tpu.memory_space<vmem>>) target(%dma_start3A_157 : memref<10000x128xf32, #tpu.memory_space<vmem_shared>>) offsets(%dma_start3A_154 : memref<80xi32, #tpu.memory_space<vmem>>) semaphore(%run_scoped3A_151 : memref<!tpu.dma_semaphore, #tpu.memory_space<semaphore_mem>>) {add = true}
        %dma_wait3A_158 = arith.constant 0 : i32
        %dma_wait3A_159 = tpu.memref_slice %arg9[%add3A_145, %dma_wait3A_158] : memref<125x80xi32, #tpu.memory_space<vmem>> -> memref<1x80xi32, #tpu.memory_space<vmem>>
        %dma_wait3A_160 = tpu.memref_squeeze %dma_wait3A_159 : memref<1x80xi32, #tpu.memory_space<vmem>> -> memref<80xi32, #tpu.memory_space<vmem>>
        %dma_wait3A_161 = arith.constant 0 : i32
        %dma_wait3A_162 = arith.constant 0 : i32
        %dma_wait3A_163 = tpu.memref_slice %arg12[%dma_wait3A_161, %dma_wait3A_162] : memref<10000x128xf32, #tpu.memory_space<vmem_shared>> -> memref<10000x128xf32, #tpu.memory_space<vmem_shared>>
        tpu.wait_indirect_dma semaphore(%run_scoped3A_151 : memref<!tpu.dma_semaphore, #tpu.memory_space<semaphore_mem>>) src(%arg11 : memref<80x128xf32, #tpu.memory_space<vmem>>) dst(%dma_wait3A_163 : memref<10000x128xf32, #tpu.memory_space<vmem_shared>>)
        tpu.yield
      }) : () -> ()
      %lt3A_146 = arith.constant 61 : i32
      %lt3A_147 = arith.cmpi slt, %scan3A_81, %lt3A_146 : i32
      %convert_element_type3A_148 = arith.extui %lt3A_147 : i1 to i32
      %cond3A_149 = arith.constant 0 : i32
      %cond3A_150 = arith.cmpi ne, %convert_element_type3A_148, %cond3A_149 : i32
      scf.if %cond3A_150 {
        %dma_wait3A_151 = arith.constant 0 : i32
        %dma_wait3A_152 = arith.constant 0 : i32
        %dma_wait3A_153 = arith.constant 0 : i32
        %dma_wait3A_154 = tpu.memref_slice %arg8[%dma_wait3A_152, %dma_wait3A_153] : memref<2x80xi32, #tpu.memory_space<vmem>> -> memref<1x80xi32, #tpu.memory_space<vmem>>
        %dma_wait3A_155 = tpu.memref_squeeze %dma_wait3A_154 : memref<1x80xi32, #tpu.memory_space<vmem>> -> memref<80xi32, #tpu.memory_space<vmem>>
        %dma_wait3A_156 = arith.constant 0 : i32
        %dma_wait3A_157 = tpu.memref_slice %arg2[%arg0, %arg1, %dma_wait3A_151, %dma_wait3A_156] : memref<2x16x125x80xi32, #tpu.memory_space<hbm>> -> memref<1x1x1x80xi32, #tpu.memory_space<hbm>>
        %dma_wait3A_158 = tpu.memref_squeeze %dma_wait3A_157 : memref<1x1x1x80xi32, #tpu.memory_space<hbm>> -> memref<80xi32, #tpu.memory_space<hbm>>
        %dma_wait3A_159 = arith.constant 0 : i32
        %dma_wait3A_160 = tpu.memref_slice %arg8[%dma_wait3A_152, %dma_wait3A_159] : memref<2x80xi32, #tpu.memory_space<vmem>> -> memref<1x80xi32, #tpu.memory_space<vmem>>
        %dma_wait3A_161 = tpu.memref_squeeze %dma_wait3A_160 : memref<1x80xi32, #tpu.memory_space<vmem>> -> memref<80xi32, #tpu.memory_space<vmem>>
        %dma_wait3A_162 = arith.constant 0 : i32
        %dma_wait3A_163 = tpu.memref_slice %arg2[%arg0, %arg1, %dma_wait3A_151, %dma_wait3A_162] : memref<2x16x125x80xi32, #tpu.memory_space<hbm>> -> memref<1x1x1x80xi32, #tpu.memory_space<hbm>>
        %dma_wait3A_164 = tpu.memref_squeeze %dma_wait3A_163 : memref<1x1x1x80xi32, #tpu.memory_space<hbm>> -> memref<80xi32, #tpu.memory_space<hbm>>
        tpu.wait_dma2 semaphore(%arg14 : memref<!tpu.dma_semaphore, #tpu.memory_space<semaphore_mem>>) src(%dma_wait3A_164 : memref<80xi32, #tpu.memory_space<hbm>>) dst(%dma_wait3A_161 : memref<80xi32, #tpu.memory_space<vmem>>)
      } else {
      }
    }
    %scan3A_72 = arith.constant 62 : i32
    %dma_wait3A_73 = arith.constant 0 : i32
    %dma_wait3A_74 = arith.constant 0 : i32
    %dma_wait3A_75 = tpu.memref_slice %arg8[%dma_wait3A_73, %dma_wait3A_74] : memref<2x80xi32, #tpu.memory_space<vmem>> -> memref<1x80xi32, #tpu.memory_space<vmem>>
    %dma_wait3A_76 = tpu.memref_squeeze %dma_wait3A_75 : memref<1x80xi32, #tpu.memory_space<vmem>> -> memref<80xi32, #tpu.memory_space<vmem>>
    %dma_wait3A_77 = arith.constant 0 : i32
    %dma_wait3A_78 = arith.constant 0 : i32
    %dma_wait3A_79 = tpu.memref_slice %arg5[%dma_wait3A_77, %dma_wait3A_78] : memref<10000x128xf32, #tpu.memory_space<hbm>> -> memref<10000x128xf32, #tpu.memory_space<hbm>>
    tpu.wait_indirect_dma semaphore(%arg13 : memref<!tpu.dma_semaphore, #tpu.memory_space<semaphore_mem>>) src(%dma_wait3A_79 : memref<10000x128xf32, #tpu.memory_space<hbm>>) dst(%arg10 : memref<80x128xf32, #tpu.memory_space<vmem>>)
    %run_scoped3A = arith.constant 124 : i32
    "tpu.region"() ({
      %run_scoped3A_81 = tpu.sem_alloc : memref<!tpu.dma_semaphore, #tpu.memory_space<semaphore_mem>>
      %dma_start3A_82 = arith.constant 0 : i32
      %dma_start3A_83 = tpu.memref_slice %arg9[%run_scoped3A, %dma_start3A_82] : memref<125x80xi32, #tpu.memory_space<vmem>> -> memref<1x80xi32, #tpu.memory_space<vmem>>
      %dma_start3A_84 = tpu.memref_squeeze %dma_start3A_83 : memref<1x80xi32, #tpu.memory_space<vmem>> -> memref<80xi32, #tpu.memory_space<vmem>>
      %dma_start3A_85 = arith.constant 0 : i32
      %dma_start3A_86 = arith.constant 0 : i32
      %dma_start3A_87 = tpu.memref_slice %arg12[%dma_start3A_85, %dma_start3A_86] : memref<10000x128xf32, #tpu.memory_space<vmem_shared>> -> memref<10000x128xf32, #tpu.memory_space<vmem_shared>>
      tpu.enqueue_indirect_dma source(%arg10 : memref<80x128xf32, #tpu.memory_space<vmem>>) target(%dma_start3A_87 : memref<10000x128xf32, #tpu.memory_space<vmem_shared>>) offsets(%dma_start3A_84 : memref<80xi32, #tpu.memory_space<vmem>>) semaphore(%run_scoped3A_81 : memref<!tpu.dma_semaphore, #tpu.memory_space<semaphore_mem>>) {add = true}
      %dma_wait3A_88 = arith.constant 0 : i32
      %dma_wait3A_89 = tpu.memref_slice %arg9[%run_scoped3A, %dma_wait3A_88] : memref<125x80xi32, #tpu.memory_space<vmem>> -> memref<1x80xi32, #tpu.memory_space<vmem>>
      %dma_wait3A_90 = tpu.memref_squeeze %dma_wait3A_89 : memref<1x80xi32, #tpu.memory_space<vmem>> -> memref<80xi32, #tpu.memory_space<vmem>>
      %dma_wait3A_91 = arith.constant 0 : i32
      %dma_wait3A_92 = arith.constant 0 : i32
      %dma_wait3A_93 = tpu.memref_slice %arg12[%dma_wait3A_91, %dma_wait3A_92] : memref<10000x128xf32, #tpu.memory_space<vmem_shared>> -> memref<10000x128xf32, #tpu.memory_space<vmem_shared>>
      tpu.wait_indirect_dma semaphore(%run_scoped3A_81 : memref<!tpu.dma_semaphore, #tpu.memory_space<semaphore_mem>>) src(%arg10 : memref<80x128xf32, #tpu.memory_space<vmem>>) dst(%dma_wait3A_93 : memref<10000x128xf32, #tpu.memory_space<vmem_shared>>)
      tpu.yield
    }) : () -> ()
    %barrier3A_80 = arith.constant 0 : index
    tpu.barrier barrier_id(%barrier3A_80)
    "tpu.region"() ({
      %run_scoped3A_81 = tpu.sem_alloc : memref<!tpu.dma_semaphore, #tpu.memory_space<semaphore_mem>>
      %dma_start3A_82 = arith.constant 0 : i32
      %dma_start3A_83 = arith.constant 0 : i32
      %dma_start3A_84 = tpu.memref_slice %arg7[%arg0, %arg1, %dma_start3A_82, %dma_start3A_83] : memref<2x16x625x128xf32, #tpu.memory_space<hbm>> -> memref<1x1x625x128xf32, #tpu.memory_space<hbm>>
      %dma_start3A_85 = tpu.memref_squeeze %dma_start3A_84 : memref<1x1x625x128xf32, #tpu.memory_space<hbm>> -> memref<625x128xf32, #tpu.memory_space<hbm>>
      %dma_start3A_86 = arith.constant 0 : i32
      %dma_start3A_87 = tpu.memref_slice %arg12[%mul3A_0, %dma_start3A_86] : memref<10000x128xf32, #tpu.memory_space<vmem_shared>> -> memref<625x128xf32, #tpu.memory_space<vmem_shared>>
      tpu.enqueue_dma source(%dma_start3A_87 : memref<625x128xf32, #tpu.memory_space<vmem_shared>>) target(%dma_start3A_85 : memref<625x128xf32, #tpu.memory_space<hbm>>) target_semaphore(%run_scoped3A_81 : memref<!tpu.dma_semaphore, #tpu.memory_space<semaphore_mem>>)
      %dma_wait3A_88 = arith.constant 0 : i32
      %dma_wait3A_89 = arith.constant 0 : i32
      %dma_wait3A_90 = tpu.memref_slice %arg7[%arg0, %arg1, %dma_wait3A_88, %dma_wait3A_89] : memref<2x16x625x128xf32, #tpu.memory_space<hbm>> -> memref<1x1x625x128xf32, #tpu.memory_space<hbm>>
      %dma_wait3A_91 = tpu.memref_squeeze %dma_wait3A_90 : memref<1x1x625x128xf32, #tpu.memory_space<hbm>> -> memref<625x128xf32, #tpu.memory_space<hbm>>
      %dma_wait3A_92 = arith.constant 0 : i32
      %dma_wait3A_93 = tpu.memref_slice %arg12[%mul3A_0, %dma_wait3A_92] : memref<10000x128xf32, #tpu.memory_space<vmem_shared>> -> memref<625x128xf32, #tpu.memory_space<vmem_shared>>
      tpu.wait_dma2 semaphore(%run_scoped3A_81 : memref<!tpu.dma_semaphore, #tpu.memory_space<semaphore_mem>>) src(%dma_wait3A_93 : memref<625x128xf32, #tpu.memory_space<vmem_shared>>) dst(%dma_wait3A_91 : memref<625x128xf32, #tpu.memory_space<hbm>>)
      tpu.yield
    }) : () -> ()
    return
  }
}

module attributes {stable_mosaic.version = 14 : i64} {
  func.func @_k2a_body(%arg0: memref<2x10000xf32, #tpu.memory_space<vmem>>, %arg1: memref<1x10000xf32, #tpu.memory_space<vmem>>) attributes {dimension_semantics = [], scalar_prefetch = 0 : i64, scratch_operands = 0 : i64, tpu.core_type = #tpu.core_type<tc>} {
    %get3A = arith.constant 0 : index
    %get3A_0 = arith.constant 0 : index
    %get3A_1 = vector.load %arg0[%get3A, %get3A_0] : memref<2x10000xf32, #tpu.memory_space<vmem>>, vector<1x10000xf32>
    %get3A_2 = arith.constant 1 : index
    %get3A_3 = arith.constant 0 : index
    %get3A_4 = vector.load %arg0[%get3A_2, %get3A_3] : memref<2x10000xf32, #tpu.memory_space<vmem>>, vector<1x10000xf32>
    %add3A = arith.addf %get3A_1, %get3A_4 : vector<1x10000xf32>
    %add3A_5 = arith.constant 1.000000e+00 : f32
    %add3A_6 = vector.broadcast %add3A_5 : f32 to vector<1x10000xf32>
    %add3A_7 = arith.addf %add3A, %add3A_6 : vector<1x10000xf32>
    %max3A = arith.constant 9.99999996E-13 : f32
    %max3A_8 = vector.broadcast %max3A : f32 to vector<1x10000xf32>
    %max3A_9 = arith.maximumf %add3A_7, %max3A_8 : vector<1x10000xf32>
    %rsqrt3A = math.rsqrt %max3A_9 : vector<1x10000xf32>
    %swap3A = arith.constant 0 : index
    %swap3A_10 = arith.constant 0 : index
    %swap3A_11 = vector.load %arg1[%swap3A, %swap3A_10] : memref<1x10000xf32, #tpu.memory_space<vmem>>, vector<1x10000xf32>
    tpu.vector_store %arg1[%swap3A, %swap3A_10], %rsqrt3A {strides = array<i32>} : memref<1x10000xf32, #tpu.memory_space<vmem>>, vector<1x10000xf32>,
    return
  }
}

module attributes {stable_mosaic.version = 14 : i64} {
  func.func @_k2b_body(%arg0: i32, %arg1: memref<1x625x128xf32, #tpu.memory_space<vmem>>, %arg2: memref<1x625x1xf32, #tpu.memory_space<vmem>>, %arg3: memref<1x625x128xf32, #tpu.memory_space<vmem>>) attributes {dimension_semantics = [#tpu.dimension_semantics<arbitrary>], iteration_bounds = array<i64: 16>, scalar_prefetch = 0 : i64, scratch_operands = 0 : i64, tpu.core_type = #tpu.core_type<tc>, window_params = [{transform_indices = @transform_0, window_bounds = array<i64: 1, 625, 128>}, {transform_indices = @transform_1, window_bounds = array<i64: 1, 625, 1>}, {transform_indices = @transform_2, window_bounds = array<i64: 1, 625, 128>}]} {
    %get3A = arith.constant 0 : index
    %get3A_0 = arith.constant 0 : index
    %get3A_1 = arith.constant 0 : index
    %get3A_2 = vector.load %arg1[%get3A, %get3A_0, %get3A_1] : memref<1x625x128xf32, #tpu.memory_space<vmem>>, vector<1x625x128xf32>
    %get3A_3 = vector.shape_cast %get3A_2 : vector<1x625x128xf32> to vector<625x128xf32>
    %get3A_4 = arith.constant 0 : index
    %get3A_5 = arith.constant 0 : index
    %get3A_6 = arith.constant 0 : index
    %get3A_7 = vector.load %arg2[%get3A_4, %get3A_5, %get3A_6] : memref<1x625x1xf32, #tpu.memory_space<vmem>>, vector<1x625x1xf32>
    %get3A_8 = vector.shape_cast %get3A_7 : vector<1x625x1xf32> to vector<625x1xf32>
    %mul3A = vector.broadcast %get3A_8 : vector<625x1xf32> to vector<625x128xf32>
    %mul3A_9 = arith.mulf %get3A_3, %mul3A : vector<625x128xf32>
    %swap3A = arith.constant 0 : index
    %swap3A_10 = arith.constant 0 : index
    %swap3A_11 = arith.constant 0 : index
    %swap3A_12 = vector.load %arg3[%swap3A, %swap3A_10, %swap3A_11] : memref<1x625x128xf32, #tpu.memory_space<vmem>>, vector<1x625x128xf32>
    %swap3A_13 = vector.shape_cast %swap3A_12 : vector<1x625x128xf32> to vector<625x128xf32>
    %swap3A_14 = vector.shape_cast %mul3A_9 : vector<625x128xf32> to vector<1x625x128xf32>
    tpu.vector_store %arg3[%swap3A, %swap3A_10, %swap3A_11], %swap3A_14 {strides = array<i32>} : memref<1x625x128xf32, #tpu.memory_space<vmem>>, vector<1x625x128xf32>,
    return
  }
  func.func @transform_0(%arg0: i32) -> (i32, i32, i32) {
    %c0_i32 = arith.constant 0 : i32
    %c0_i32_0 = arith.constant 0 : i32
    %c0_i32_1 = arith.constant 0 : i32
    return %arg0, %c0_i32, %c0_i32_0 : i32, i32, i32
  }
  func.func @transform_1(%arg0: i32) -> (i32, i32, i32) {
    %c0_i32 = arith.constant 0 : i32
    %c0_i32_0 = arith.constant 0 : i32
    %c0_i32_1 = arith.constant 0 : i32
    return %arg0, %c0_i32, %c0_i32_0 : i32, i32, i32
  }
  func.func @transform_2(%arg0: i32) -> (i32, i32, i32) {
    %c0_i32 = arith.constant 0 : i32
    %c0_i32_0 = arith.constant 0 : i32
    %c0_i32_1 = arith.constant 0 : i32
    return %arg0, %c0_i32, %c0_i32_0 : i32, i32, i32
  }
}

module attributes {stable_mosaic.version = 14 : i64} {
  func.func @_k4_body(%arg0: i32, %arg1: memref<1x1x625x128xf32, #tpu.memory_space<vmem>>, %arg2: memref<1x1x625x128xf32, #tpu.memory_space<vmem>>, %arg3: memref<1x625x1xf32, #tpu.memory_space<vmem>>, %arg4: memref<128x128xf32, #tpu.memory_space<vmem>>, %arg5: memref<1x128xf32, #tpu.memory_space<vmem>>, %arg6: memref<1x625x128xf32, #tpu.memory_space<vmem>>) attributes {dimension_semantics = [#tpu.dimension_semantics<arbitrary>], iteration_bounds = array<i64: 16>, scalar_prefetch = 0 : i64, scratch_operands = 0 : i64, tpu.core_type = #tpu.core_type<tc>, window_params = [{transform_indices = @transform_0, window_bounds = array<i64: 1, 1, 625, 128>}, {transform_indices = @transform_1, window_bounds = array<i64: 1, 1, 625, 128>}, {transform_indices = @transform_2, window_bounds = array<i64: 1, 625, 1>}, {pipeline_mode = #tpu.pipeline_mode<synchronous>, transform_indices = @transform_3, window_bounds = array<i64: 128, 128>}, {pipeline_mode = #tpu.pipeline_mode<synchronous>, transform_indices = @transform_4, window_bounds = array<i64: 1, 128>}, {transform_indices = @transform_5, window_bounds = array<i64: 1, 625, 128>}]} {
    %get3A = arith.constant 0 : index
    %get3A_0 = arith.constant 0 : index
    %get3A_1 = arith.constant 0 : index
    %get3A_2 = arith.constant 0 : index
    %get3A_3 = vector.load %arg1[%get3A, %get3A_0, %get3A_1, %get3A_2] : memref<1x1x625x128xf32, #tpu.memory_space<vmem>>, vector<1x1x625x128xf32>
    %get3A_4 = vector.shape_cast %get3A_3 : vector<1x1x625x128xf32> to vector<625x128xf32>
    %get3A_5 = arith.constant 0 : index
    %get3A_6 = arith.constant 0 : index
    %get3A_7 = arith.constant 0 : index
    %get3A_8 = arith.constant 0 : index
    %get3A_9 = vector.load %arg2[%get3A_5, %get3A_6, %get3A_7, %get3A_8] : memref<1x1x625x128xf32, #tpu.memory_space<vmem>>, vector<1x1x625x128xf32>
    %get3A_10 = vector.shape_cast %get3A_9 : vector<1x1x625x128xf32> to vector<625x128xf32>
    %add3A = arith.addf %get3A_4, %get3A_10 : vector<625x128xf32>
    %get3A_11 = arith.constant 0 : index
    %get3A_12 = arith.constant 0 : index
    %get3A_13 = arith.constant 0 : index
    %get3A_14 = vector.load %arg3[%get3A_11, %get3A_12, %get3A_13] : memref<1x625x1xf32, #tpu.memory_space<vmem>>, vector<1x625x1xf32>
    %get3A_15 = vector.shape_cast %get3A_14 : vector<1x625x1xf32> to vector<625x1xf32>
    %mul3A = vector.broadcast %get3A_15 : vector<625x1xf32> to vector<625x128xf32>
    %mul3A_16 = arith.mulf %add3A, %mul3A : vector<625x128xf32>
    %get3A_17 = arith.constant 0 : index
    %get3A_18 = arith.constant 0 : index
    %get3A_19 = vector.load %arg4[%get3A_17, %get3A_18] : memref<128x128xf32, #tpu.memory_space<vmem>>, vector<128x128xf32>
    %dot_general3A = arith.constant dense<0.000000e+00> : vector<625x128xf32>
    %dot_general3A_20 = tpu.matmul %mul3A_16, %get3A_19, %dot_general3A {dimension_numbers = #tpu.dot_dimension_numbers<[1], [0], [0], [1], [0, 0, 1, 1], [], []>, transpose_lhs_hint = false} : vector<625x128xf32>, vector<128x128xf32>, vector<625x128xf32> -> vector<625x128xf32>
    %get3A_21 = arith.constant 0 : index
    %get3A_22 = arith.constant 0 : index
    %get3A_23 = vector.load %arg5[%get3A_21, %get3A_22] : memref<1x128xf32, #tpu.memory_space<vmem>>, vector<1x128xf32>
    %add3A_24 = vector.broadcast %get3A_23 : vector<1x128xf32> to vector<625x128xf32>
    %add3A_25 = arith.addf %dot_general3A_20, %add3A_24 : vector<625x128xf32>
    %swap3A = arith.constant 0 : index
    %swap3A_26 = arith.constant 0 : index
    %swap3A_27 = arith.constant 0 : index
    %swap3A_28 = vector.load %arg6[%swap3A, %swap3A_26, %swap3A_27] : memref<1x625x128xf32, #tpu.memory_space<vmem>>, vector<1x625x128xf32>
    %swap3A_29 = vector.shape_cast %swap3A_28 : vector<1x625x128xf32> to vector<625x128xf32>
    %swap3A_30 = vector.shape_cast %add3A_25 : vector<625x128xf32> to vector<1x625x128xf32>
    tpu.vector_store %arg6[%swap3A, %swap3A_26, %swap3A_27], %swap3A_30 {strides = array<i32>} : memref<1x625x128xf32, #tpu.memory_space<vmem>>, vector<1x625x128xf32>,
    return
  }
  func.func @transform_0(%arg0: i32) -> (i32, i32, i32, i32) {
    %c0_i32 = arith.constant 0 : i32
    %c0_i32_0 = arith.constant 0 : i32
    %c0_i32_1 = arith.constant 0 : i32
    %c0_i32_2 = arith.constant 0 : i32
    return %c0_i32, %arg0, %c0_i32_0, %c0_i32_1 : i32, i32, i32, i32
  }
  func.func @transform_1(%arg0: i32) -> (i32, i32, i32, i32) {
    %c1_i32 = arith.constant 1 : i32
    %c0_i32 = arith.constant 0 : i32
    %c0_i32_0 = arith.constant 0 : i32
    %c0_i32_1 = arith.constant 0 : i32
    return %c1_i32, %arg0, %c0_i32, %c0_i32_0 : i32, i32, i32, i32
  }
  func.func @transform_2(%arg0: i32) -> (i32, i32, i32) {
    %c0_i32 = arith.constant 0 : i32
    %c0_i32_0 = arith.constant 0 : i32
    %c0_i32_1 = arith.constant 0 : i32
    return %arg0, %c0_i32, %c0_i32_0 : i32, i32, i32
  }
  func.func @transform_3(%arg0: i32) -> (i32, i32) {
    %c0_i32 = arith.constant 0 : i32
    %c0_i32_0 = arith.constant 0 : i32
    %c0_i32_1 = arith.constant 0 : i32
    return %c0_i32, %c0_i32_0 : i32, i32
  }
  func.func @transform_4(%arg0: i32) -> (i32, i32) {
    %c0_i32 = arith.constant 0 : i32
    %c0_i32_0 = arith.constant 0 : i32
    %c0_i32_1 = arith.constant 0 : i32
    return %c0_i32, %c0_i32_0 : i32, i32
  }
  func.func @transform_5(%arg0: i32) -> (i32, i32, i32) {
    %c0_i32 = arith.constant 0 : i32
    %c0_i32_0 = arith.constant 0 : i32
    %c0_i32_1 = arith.constant 0 : i32
    return %arg0, %c0_i32, %c0_i32_0 : i32, i32, i32
  }
}

</mosaic_0001>

<sc_bundles>
// kernel: kernel.10.cloned.1.call-start
scs
__scs_entry_jumppad:
0x0: {  	(pc) =	sbr.rel $0x88, $3  }
0x1: {  	(tag) =	ssettag $0x0;
	lr =	simm.s32 $0x1  }
0x2: {  	[smem:$0x3F9D] =	sst lr;
	_ =	strace $0xD0000000  }
0x3: {  	_ = 	snop  }
0x4: {  	_ = 	snop  }
0x5: {  	_ = 	snop  }
0x6: {  	_ = 	snop  }
0x7: {  	_ = 	snop  }
__scs_overlays_trampoline_lowered:
0x8: {  	[smem:$0x3FAC] =	sst s0  }
0x9: {  	[smem:$0x3FAD] =	sst s1  }
0xa: {  	[smem:$0x3FAE] =	sst s2  }
0xb: {  	[smem:$0x3FAF] =	sst s3  }
0xc: {  	[smem:$0x3FB0] =	sst s4  }
0xd: {  	[smem:$0x3FB1] =	sst s5  }
0xe: {  	[smem:$0x3FB2] =	sst s6  }
0xf: {  	[smem:$0x3FB3] =	sst s7  }
0x10: {  	[smem:$0x3FB4] =	sst s8  }
0x11: {  	[smem:$0x3FB5] =	sst s9;
	s0 =	simm.s32 @!p0 $0x0  }
0x12: {  	s1 =	sld [smem:$0x3F9B];
	s0 =	simm.s32 @p0 $0x1  }
0x13: {  	[smem:$0x3FB6] =	sst s0;
	s0 =	simm.s32 @!p1 $0x0  }
0x14: {  	s2 =	sld [smem:$0x3F9A];
	s0 =	simm.s32 @p1 $0x1  }
0x15: {  	[smem:$0x3FB7] =	sst s0;
	s0 =	simm.s32 @!p2 $0x0  }
0x16: {  	s3 =	sld [smem:$0x3FDB];
	s0 =	simm.s32 @p2 $0x1  }
0x17: {  	s4 =	simm.s32 $0x1BF5;
	[smem:$0x3FB9] =	sst s0  }
0x18: {  	s0 =	sld [smem:$0x3F9C];
	_ =	swait.ge [sflag:s4], $0x0  }
0x19: {  	s7 =	sld [smem:$0x3F9D]  }
0x1a: {  	s8 =	sadd.s32 $0xFFFFE003, lr  }
0x1b: {  	s9 =	sadd.s32 $0xFFFFFEF7, lr;
	s5 =	simm.s32 $0xFFFFFFFF;
	p2 =	slt.u32 s8, $0xFFFFF086  }
0x1c: {  	p1 =	slt.u32 s9, $0xF7A;
	s5 =	simm.s32 @!p2 $0x0  }
0x1d: {  	s5 =	simm.s32 @p1 $0x1;
	p0 =	seq.s32 s7, s2  }
0x1e: {  	s7 =	smul.u32 @!p0 $0xF7A, s2;
	p2 =	seq.s32 @!p0 s5, $0x0  }
0x1f: {  	s9 =	smul.u32 $0xF7A, s1;
	s8 =	simm.s32 @!p0 $0x1BF5;
	p2 =	por !p2, p0  }
0x20: {  	[sflag:s8] =	ssyncset.s32 @!p0 $0xFFFFF086;
	s6 =	sadd.s32 @!p0 s3, s7;
	s7 =	simm.s32 @!p0 $0x108  }
0x21: {  	s3 =	sadd.s32 s3, s9;
	s6 =	sadd.s32 @!p0 $0x88, s6;
	s7 =	simm.s32 @p2 $0x1082  }
0x22: {  	[simem:s7], [sflag:s8] =	dma.local @!p0 [hbm:s6], $0xF7A  }
0x23: {  	s9 =	sor.u32 $0xD0000000, s2;
	s6 =	simm.s32 $0x108;
	_ =	swait.ge @!p0 [sflag:s8], $0x0  }
0x24: {  	s3 =	sadd.s32 $0x88, s3;
	s6 =	simm.s32 @!p1 $0x1082;
	[sflag:s4] =	ssyncset.s32 $0xFFFFF086  }
0x25: {  	[simem:s6], [sflag:s4] =	dma.local [hbm:s3], $0xF7A  }
0x26: {  	[smem:$0x3F9D] =	sst s1;
	(tag) =	ssettag s2;
	_ =	strace s9  }
0x27: {  	s1 =	sld [smem:$0x3FAD]  }
0x28: {  	s2 =	sld [smem:$0x3FAE]  }
0x29: {  	s4 =	sld [smem:$0x3FB0]  }
0x2a: {  	p0 =	seq.s32 s5, $0x0;
	s5 =	sld [smem:$0x3FB1]  }
0x2b: {  	s6 =	sld [smem:$0x3FB2]  }
0x2c: {  	s7 =	sld [smem:$0x3FB3]  }
0x2d: {  	s3 =	simm.s32 $0x108;
	s8 =	sld [smem:$0x3FB4]  }
0x2e: {  	s3 =	simm.s32 @!p0 $0x1082;
	s9 =	sld [smem:$0x3FB5]  }
0x2f: {  	lr =	sadd.s32 s0, s3;
	s0 =	sld [smem:$0x3FAC]  }
0x30: {  	s3 =	sld [smem:$0x3FAF]  }
0x31: {  	[smem:$0x3FB8] =	sst s10  }
0x32: {  	s10 =	sld [smem:$0x3FB6];
	_ =	sdelay $0x3  }
0x33: {  	p0 =	seq.s32 s10, $0x1;
	s10 =	sld [smem:$0x3FB8];
	_ =	sdelay $0x3  }
0x34: {  	[smem:$0x3FB8] =	sst s10  }
0x35: {  	s10 =	sld [smem:$0x3FB7];
	_ =	sdelay $0x3  }
0x36: {  	p1 =	seq.s32 s10, $0x1;
	s10 =	sld [smem:$0x3FB8];
	_ =	sdelay $0x3  }
0x37: {  	[smem:$0x3FB8] =	sst s10  }
0x38: {  	s10 =	sld [smem:$0x3FB9]  }
0x39: {  	_ = 	snop;
	(pc) =	sbr.ind lr, $3  }
0x3a: {  	_ = 	snop  }
0x3b: {  	_ = 	snop  }
0x3c: {  	p2 =	seq.s32 s10, $0x1;
	s10 =	sld [smem:$0x3FB8]  }
0x3d: {  	_ =	shalt  }
0x3e: {  	_ =	shalt  }
0x3f: {  	_ =	shalt  }
0x40: {  	_ =	shalt  }
0x41: {  	_ =	shalt  }
0x42: {  	_ =	shalt  }
0x43: {  	_ =	shalt  }
0x44: {  	_ =	shalt  }
0x45: {  	_ =	shalt  }
0x46: {  	_ =	shalt  }
0x47: {  	_ =	shalt  }
0x48: {  	_ =	shalt  }
0x49: {  	_ =	shalt  }
0x4a: {  	_ =	shalt  }
0x4b: {  	_ =	shalt  }
0x4c: {  	_ =	shalt  }
0x4d: {  	_ =	shalt  }
0x4e: {  	_ =	shalt  }
0x4f: {  	_ =	shalt  }
0x50: {  	_ =	shalt  }
0x51: {  	_ =	shalt  }
0x52: {  	_ =	shalt  }
0x53: {  	_ =	shalt  }
0x54: {  	_ =	shalt  }
0x55: {  	_ =	shalt  }
0x56: {  	_ =	shalt  }
0x57: {  	_ =	shalt  }
0x58: {  	_ =	shalt  }
0x59: {  	_ =	shalt  }
0x5a: {  	_ =	shalt  }
0x5b: {  	_ =	shalt  }
0x5c: {  	_ =	shalt  }
0x5d: {  	_ =	shalt  }
0x5e: {  	_ =	shalt  }
0x5f: {  	_ =	shalt  }
0x60: {  	_ =	shalt  }
0x61: {  	_ =	shalt  }
0x62: {  	_ =	shalt  }
0x63: {  	_ =	shalt  }
0x64: {  	_ =	shalt  }
0x65: {  	_ =	shalt  }
0x66: {  	_ =	shalt  }
0x67: {  	_ =	shalt  }
0x68: {  	_ =	shalt  }
0x69: {  	_ =	shalt  }
0x6a: {  	_ =	shalt  }
0x6b: {  	_ =	shalt  }
0x6c: {  	_ =	shalt  }
0x6d: {  	_ =	shalt  }
0x6e: {  	_ =	shalt  }
0x6f: {  	_ =	shalt  }
0x70: {  	_ =	shalt  }
0x71: {  	_ =	shalt  }
0x72: {  	_ =	shalt  }
0x73: {  	_ =	shalt  }
0x74: {  	_ =	shalt  }
0x75: {  	_ =	shalt  }
0x76: {  	_ =	shalt  }
0x77: {  	_ =	shalt  }
0x78: {  	_ =	shalt  }
0x79: {  	_ =	shalt  }
0x7a: {  	_ =	shalt  }
0x7b: {  	_ =	shalt  }
0x7c: {  	_ =	shalt  }
0x7d: {  	_ =	shalt  }
0x7e: {  	_ =	shalt  }
0x7f: {  	_ =	shalt  }
0x80: {  	_ =	shalt  }
0x81: {  	_ =	shalt  }
0x82: {  	_ =	shalt  }
0x83: {  	_ =	shalt  }
0x84: {  	_ =	shalt  }
0x85: {  	_ =	shalt  }
0x86: {  	_ =	shalt  }
0x87: {  	_ =	shalt  }
.Lfunc_end0:
.L_simem_size_0:
called_computation.1_lowered:
.L_overlay_start_0:
0x88: {  	s2 =	sld [smem:$0x3FD9]  }
0x89: {  	s3 =	sld [smem:$0x3FFE];
	_ =	sdelay $0x1  }
0x8a: {  	s1 =	srdreg.scid  }
0x8b: {  	s0 =	sand.u32 $0x1, s1  }
0x8c: {  	s17 =	sshll.u32 s0, $0xA;
	s2 =	sadd.s32 s3, s2  }
0x8d: {  	s2 =	sadd.s32 s2, s17  }
0x8e: {  	[smem:$0x3FC4] =	sst s2  }
0x8f: {  	_ = 	snop  }
0x90: {  	s2 =	sld [smem:$0x3FD0];
	(tm) =	ssettm $0x1  }
0x91: {  	s18 =	sld [smem:$0x3FFB];
	_ =	sdelay $0x3  }
0x92: {  	_ =	strace s18  }
0x93: {  	s3 =	sld [smem:$0x3FFC];
	_ =	sdelay $0x3  }
0x94: {  	_ =	strace s3  }
0x95: {  	s3 =	sld [smem:$0x3FFD];
	_ =	sdelay $0x3  }
0x96: {  	_ =	strace s3  }
0x97: {  	_ =	strace $0x8FFFFFFF  }
0x98: {  	s19 =	sld [smem:$0x3FDB];
	_ =	sdelay $0x1  }
0x99: {  	s4 =	simm.s32 $_scs_section_size  }
0x9a: {  	s5 =	simm.s32 $_size__tile_overlayer_lowered;
	s6 =	simm.s32 $_tile_overlayer_lowered  }
0x9b: {  	s22 =	simm.s32 $0x1BFF;
	s21 =	sshll.u32 s6, $0x1;
	s3 =	sadd.s32 s4, s19  }
0x9c: {  	s7 =	simm.s32 $0x0;
	s20 =	sshll.u32 s5, $0x1;
	s5 =	sadd.s32 s21, s3  }
0x9d: {  	[timem:s7], [sflag:s22] =	dma.local [hbm:s5], s20  }
0x9e: {  	_ =	swait.ge [sflag:s22], s20  }
0x9f: {  	s4 =	ssub.s32 $0x0, s20;
	[sflag:s22] =	ssyncset.done $0x0  }
0xa0: {  	[sflag:s22] =	ssyncadd.s32 s4;
	_ =	sdelay $0x1  }
0xa1: {  	s23 =	simm.s32 $0x1B8B  }
0xa2: {  	_ =	swait.ge [sflag:s23], $0x1  }
0xa3: {  	[sflag:s23] =	ssyncset.done $0x0  }
0xa4: {  	s25 =	simm.s32 $0x1B8E;
	s24 =	sld [smem:$0x3FFE];
	[sflag:s23] =	ssyncadd.s32 $0xFFFFFFFF  }
0xa5: {  	s26 =	simm.s32 $execute0_lowered;
	[smem:$0x3FD2] =	sst s25  }
0xa6: {  	s5 =	sshll.u32 s26, $0x1;
	_ =	strace $0x80000049;
	[dreg:$0x1] =	wrdreg $0xFFFFFFFF  }
0xa7: {  	s28 =	simm.s32 $_size_execute0_lowered;
	s3 =	sadd.s32 s3, s5;
	[dreg:$0x0] =	wrdreg $0x0  }
0xa8: {  	s5 =	sshll.u32 s28, $0x1;
	[dreg:$0x2] =	wrdreg s3  }
0xa9: {  	[dreg:$0x3] =	wrdreg s5  }
0xaa: {  	[dreg:$0x4] =	wrdreg $0xC0  }
0xab: {  	_ =	task [dreg:s7], $0x5FFFF  }
0xac: {  	[dreg:$0x1] =	wrdreg $0xFFFFFFFF  }
0xad: {  	[dreg:$0x0] =	wrdreg $0x60  }
0xae: {  	[dreg:$0x2] =	wrdreg s24  }
0xaf: {  	[dreg:$0x3] =	wrdreg s2  }
0xb0: {  	[dreg:$0x4] =	wrdreg $0x91000  }
0xb1: {  	[dreg:$0x5] =	wrdreg $0x9  }
0xb2: {  	_ =	task.clear_ibuf [dreg:s7], $0x6FFFF;
	_ =	strace $0x90000049  }
0xb3: {  	s29 =	simm.s32 $0x9;
	_ =	strace $0x8000004B  }
0xb4: {  	_ =	swait.ge [sflag:s29], $0x1  }
0xb5: {  	[sflag:s29] =	ssyncadd.s32 $0xFFFFFFFF  }
0xb6: {  	_ =	strace $0x9000004B  }
0xb7: {  	_ =	sfence  }
0xb8: {  	s30 =	sld [smem:$0x0];
	_ =	sdelay $0x2  }
0xb9: {  	s31 =	sshll.u32 s1, $0xD;
	s1 =	sshrl.u32 s1, $0x2  }
0xba: {  	s3 =	sand.u32 $0x4000, s31;
	s1 =	sadd.s32 s1, s30  }
0xbb: {  	s0 =	sor.u32 s3, s0;
	s1 =	sshll.u32 s1, $0x11  }
0xbc: {  	s0 =	sor.u32 s1, s0  }
0xbd: {  	s0 =	sadd.s32 $0x8F2B, s0  }
0xbe: {  	[sflag:s0] =	ssyncadd.remote.s32 $0x1  }
0xbf: {  	_ =	sfence.sel $0xFFFF  }
0xc0: {  	[dreg:$0x0] =	wrdreg $0xFFFFFFFF;
	(pc) =	sbr.abs _section_cstart, $3  }
0xc1: {  	[dreg:$0x1] =	wrdreg $0xFFFFFFFF  }
0xc2: {  	_ =	task.clear_ibuf [dreg:s7], $0x2FFFF;
	_ =	strace $0x9FFFFFFF  }
0xc3: {  	(tm) =	ssettm $0x7FFFFFFF  }
tec
execute0_lowered:
.L_overlay_start_1:
0x0: {  	(tag) =	ssettag $0x1  }
0x1: {  	s7 =	rddreg [dreg:$0x0]  }
0x2: {  	s1 =	rddreg [dreg:$0x1]  }
0x3: {  	s2 =	rddreg [dreg:$0x2];
	s4 =	simm.s32 $0x0;
	s5 =	srdreg.scid  }
0x4: {  	s0 =	stileid.u32;
	s19 =	simm.s32 $0x2;
	s20 =	simm.s32 $0x50  }
0x5: {  	s21 =	simm.s32 $0x4100;
	s22 =	simm.s32 $0x1;
	s23 =	simm.s32 $0x6900  }
0x6: {  	s24 =	simm.s32 $0x3E00;
	s25 =	simm.s32 $0x3E80;
	s26 =	simm.s32 $0x3F00  }
0x7: {  	s28 =	simm.s32 $0x0;
	[smem:$0x7FF] =	sst s4;
	s8 =	smul.u32 $0x2780, s0  }
0x8: {  	s14 =	sand.u32 $0x1, s5;
	s6 =	sshll.u32 s0, $0xE;
	s11 =	smul.u32 $0x13C00, s0  }
0x9: {  	s13 =	smul.u32 $0x4E200, s0;
	s15 =	sadd.s32 $0x48C00, s7;
	s31 =	sshll.u32 s0, $0x6  }
0xa: {  	s5 =	sshll.u32 s14, $0x12;
	_ =	strace $0x8000004A;
	s9 =	smul.u32 $0x13C000, s14  }
0xb: {  	s30 =	ssub.s32 $0x2, s14;
	p0 =	sne.s32 s14, $0x0;
	s14 =	sor.u32 $0x1C03, s31  }
0xc: {  	s5 =	sor.u32 s6, s5;
	s6 =	sadd.s32 $0x11400, s7;
	s8 =	sadd.s32 s8, s7  }
0xd: {  	s16 =	sshrl.u32 s30, $0x1;
	s13 =	sshrl.u32 s13, $0x2;
	s9 =	sadd.s32 s11, s9  }
0xe: {  	s10 =	sshrl.u32 s5, $0x3;
	s16 =	ssub.s32 s30, s16;
	s9 =	sshrl.u32 s9, $0x3  }
0xf: {  	s18 =	sadd.s32 s13, s2;
	s12 =	sadd.s32 s10, s7;
	s17 =	sadd.s32 s9, s7  }
0x10: {  	s7 =	sadd.s32 $0x21400, s8;
	s8 =	sadd.s32 $0xC00, s12;
	s9 =	sadd.s32 s6, s10  }
0x11: {  	s12 =	smax.u32 s16, $0x1;
	s16 =	simm.s32 $0x3;
	s10 =	sadd.s32 $0x10, s9  }
0x12: {  	s11 =	sadd.s32 $0x4B400, s17;
	s13 =	sadd.s32 $0x7C0, s9;
	s7 =	smov.u32 @p0 s15  }
0x13: {  	s15 =	sshrl.u32 s18, $0x3;
	s17 =	simm.s32 $0x100;
	s18 =	simm.s32 $0x80  }
.LBB2_1:
0x14: {  	[spmem:s15], [sflag:s14] =	dma.local [hbm:s7], $0x2710  }
0x15: {  	_ =	swait.ge [sflag:s16], $0x2710  }
0x16: {  	[sflag:s16] =	ssyncset.done $0x0  }
0x17: {  	[sflag:s16] =	ssyncadd.s32 $0xFFFFD8F0  }
0x18: {  	[tilespmem:s17], [sflag:$0x3] =	stream.linear.gather [hbm4b:s8+s4], $0x3E80, $0x38;
	[tilespmem:$0x1C980] =	vst v63  }
0x19: {  	_ =	swait.ge [sflag:s16], $0x3E80  }
0x1a: {  	[sflag:s16] =	ssyncset.done $0x0  }
0x1b: {  	[sflag:s16] =	ssyncadd.s32 $0xFFFFC180  }
0x1c: {  	[tilespmem:s4], [sflag:$0x2] =	stream.linear.gather [hbm4b:s9+s4], $0x80, $0x38;
	[tilespmem:$0x1C980] =	vst v63  }
0x1d: {  	_ = 	snop  }
0x1e: {  	[tilespmem:s18], [sflag:$0x2] =	stream.linear.gather [hbm4b:s10+s4], $0x80, $0x38;
	[tilespmem:$0x1C980] =	vst v63  }
0x1f: {  	_ =	swait.ge [sflag:s19], $0x80  }
0x20: {  	[sflag:s19] =	ssyncset.done $0x0  }
0x21: {  	[sflag:s19] =	ssyncadd.s32 $0xFFFFFF80  }
0x22: {  	_ =	swait.ge [sflag:s19], $0x80  }
0x23: {  	[sflag:s19] =	ssyncset.done $0x0  }
0x24: {  	s29 =	simm.s32 $0x100;
	[sflag:s19] =	ssyncadd.s32 $0xFFFFFF80  }
0x25: {  	s30 =	sand.u32 $0x7C00, s29;
	[bflag:$0x0] =	sbarrier.arrive $0xFFFF  }
0x26: {  	[tilespmem:s21], [sflag:$0x1] =	stream.indirect.gather [hbm4b:s1+s20], $0x80, s4, s20, $0xb8;
	[tilespmem:$0x1C980] =	vst v63  }
0x27: {  	s29 =	sand.u32 $0x300, s29;
	s30 =	sadd.s32 s5, s30;
	_ =	swait.ge [sflag:s22], $0x2800  }
0x28: {  	s29 =	sor.u32 s29, s30;
	[sflag:s22] =	ssyncset.done $0x0  }
0x29: {  	s29 =	sshrl.u32 s29, $0x3;
	[sflag:s22] =	ssyncadd.s32 $0xFFFFD800  }
0x2a: {  	[tilespmem:s23], [sflag:$0x1] =	stream.indirect.gather [hbm4b:s1+s20], $0x80, s18, s20, $0xb8;
	[tilespmem:$0x1C980] =	vst v63  }
0x2b: {  	s29 =	sadd.s32 s6, s29  }
0x2c: {  	[tilespmem:s4], [sflag:$0x2] =	stream.linear.gather [hbm4b:s29+s4], $0x80, $0x38;
	[tilespmem:$0x1C980] =	vst v63  }
0x2d: {  	s29 =	simm.s32 $0x100  }
0x2e: {  	[spmem:s2] =	stream.indirect.scatter.add.f32 [tilespmem:s21], [sflag:$0x3], $0x80, s29, s20, $0xb8;
	[tilespmem:$0x1C980] =	vst v63  }
0x2f: {  	_ =	swait.ge [sflag:s16], $0x2800  }
0x30: {  	[sflag:s16] =	ssyncset.done $0x0  }
0x31: {  	[sflag:s16] =	ssyncadd.s32 $0xFFFFD800  }
0x32: {  	_ =	swait.ge [sflag:s19], $0x80  }
0x33: {  	s29 =	simm.s32 $0x180;
	[sflag:s19] =	ssyncset.done $0x0  }
0x34: {  	s30 =	sand.u32 $0x7C00, s29;
	[sflag:s19] =	ssyncadd.s32 $0xFFFFFF80  }
0x35: {  	s31 =	sand.u32 $0x380, s29;
	s30 =	sadd.s32 s5, s30;
	_ =	swait.ge [sflag:s22], $0x2800  }
0x36: {  	s30 =	sor.u32 s31, s30;
	[sflag:s22] =	ssyncset.done $0x0  }
0x37: {  	s30 =	sshrl.u32 s30, $0x3;
	[sflag:s22] =	ssyncadd.s32 $0xFFFFD800  }
0x38: {  	[tilespmem:s21], [sflag:$0x1] =	stream.indirect.gather [hbm4b:s1+s20], $0x80, s4, s20, $0xb8;
	[tilespmem:$0x1C980] =	vst v63  }
0x39: {  	s30 =	sadd.s32 s6, s30  }
0x3a: {  	[tilespmem:s18], [sflag:$0x2] =	stream.linear.gather [hbm4b:s30+s4], $0x80, $0x38;
	[tilespmem:$0x1C980] =	vst v63  }
0x3b: {  	_ = 	snop  }
0x3c: {  	[spmem:s2] =	stream.indirect.scatter.add.f32 [tilespmem:s23], [sflag:$0x3], $0x80, s29, s20, $0xb8;
	[tilespmem:$0x1C980] =	vst v63  }
0x3d: {  	_ =	swait.ge [sflag:s16], $0x2800  }
0x3e: {  	[sflag:s16] =	ssyncset.done $0x0  }
0x3f: {  	s30 =	simm.s32 $0x280;
	[sflag:s16] =	ssyncadd.s32 $0xFFFFD800  }
.LBB2_2:
0x40: {  	p0 =	sne.s32 s30, $0x3D80  }
0x41: {  	_ =	swait.ge [sflag:s19], $0x80;
	s29 =	sadd.s32 $0x100, s29;
	s31 =	smov.u32 s30  }
0x42: {  	s30 =	sadd.s32 $0x100, s30;
	s0 =	sadd.s32 $0xFFFFFF80, s31;
	[sflag:s19] =	ssyncset.done $0x0  }
0x43: {  	s3 =	sand.u32 $0x7C00, s0;
	[sflag:s19] =	ssyncadd.s32 $0xFFFFFF80  }
0x44: {  	s0 =	sand.u32 $0x300, s0;
	s3 =	sadd.s32 s5, s3  }
0x45: {  	_ =	swait.ge [sflag:s22], $0x2800;
	s0 =	sor.u32 s0, s3  }
0x46: {  	[sflag:s22] =	ssyncset.done $0x0;
	s0 =	sshrl.u32 s0, $0x3  }
0x47: {  	[sflag:s22] =	ssyncadd.s32 $0xFFFFD800;
	s0 =	sadd.s32 s6, s0  }
0x48: {  	[tilespmem:s23], [sflag:$0x1] =	stream.indirect.gather [hbm4b:s1+s20], $0x80, s18, s20, $0xb8;
	[tilespmem:$0x1C980] =	vst v63  }
0x49: {  	s3 =	sadd.s32 $0xFFFFFF80, s29  }
0x4a: {  	[tilespmem:s4], [sflag:$0x2] =	stream.linear.gather [hbm4b:s0+s4], $0x80, $0x38;
	[tilespmem:$0x1C980] =	vst v63  }
0x4b: {  	_ = 	snop  }
0x4c: {  	[spmem:s2] =	stream.indirect.scatter.add.f32 [tilespmem:s21], [sflag:$0x3], $0x80, s3, s20, $0xb8;
	[tilespmem:$0x1C980] =	vst v63  }
0x4d: {  	_ =	swait.ge [sflag:s16], $0x2800  }
0x4e: {  	[sflag:s16] =	ssyncset.done $0x0  }
0x4f: {  	[sflag:s16] =	ssyncadd.s32 $0xFFFFD800  }
0x50: {  	_ =	swait.ge [sflag:s19], $0x80  }
0x51: {  	s0 =	sand.u32 $0x7C00, s31;
	[sflag:s19] =	ssyncset.done $0x0  }
0x52: {  	s0 =	sadd.s32 s5, s0;
	s3 =	sand.u32 $0x380, s31;
	[sflag:s19] =	ssyncadd.s32 $0xFFFFFF80  }
0x53: {  	s0 =	sor.u32 s3, s0;
	_ =	swait.ge [sflag:s22], $0x2800  }
0x54: {  	s0 =	sshrl.u32 s0, $0x3;
	[sflag:s22] =	ssyncset.done $0x0  }
0x55: {  	s0 =	sadd.s32 s6, s0;
	[sflag:s22] =	ssyncadd.s32 $0xFFFFD800  }
0x56: {  	[tilespmem:s21], [sflag:$0x1] =	stream.indirect.gather [hbm4b:s1+s20], $0x80, s4, s20, $0xb8;
	[tilespmem:$0x1C980] =	vst v63  }
0x57: {  	_ = 	snop  }
0x58: {  	[tilespmem:s18], [sflag:$0x2] =	stream.linear.gather [hbm4b:s0+s4], $0x80, $0x38;
	[tilespmem:$0x1C980] =	vst v63  }
.Ltmp0:
0x59: {  	(pc) =	sbr.rel @p0 .LBB2_2-.Ltmp0, $4  }
0x5a: {  	[spmem:s2] =	stream.indirect.scatter.add.f32 [tilespmem:s23], [sflag:$0x3], $0x80, s29, s20, $0xb8;
	[tilespmem:$0x1C980] =	vst v63  }
0x5b: {  	_ =	swait.ge [sflag:s16], $0x2800  }
0x5c: {  	[sflag:s16] =	ssyncset.done $0x0  }
0x5d: {  	[sflag:s16] =	ssyncadd.s32 $0xFFFFD800  }
0x5e: {  	_ =	swait.ge [sflag:s19], $0x80  }
0x5f: {  	[sflag:s19] =	ssyncset.done $0x0  }
0x60: {  	[sflag:s19] =	ssyncadd.s32 $0xFFFFFF80  }
0x61: {  	_ =	swait.ge [sflag:s22], $0x2800  }
0x62: {  	[sflag:s22] =	ssyncset.done $0x0  }
0x63: {  	[sflag:s22] =	ssyncadd.s32 $0xFFFFD800  }
0x64: {  	[tilespmem:s23], [sflag:$0x1] =	stream.indirect.gather [hbm4b:s1+s20], $0x80, s18, s20, $0xb8;
	[tilespmem:$0x1C980] =	vst v63  }
0x65: {  	_ = 	snop  }
0x66: {  	[tilespmem:s4], [sflag:$0x2] =	stream.linear.gather [hbm4b:s13+s4], $0x80, $0x38;
	[tilespmem:$0x1C980] =	vst v63  }
0x67: {  	_ = 	snop  }
0x68: {  	[spmem:s2] =	stream.indirect.scatter.add.f32 [tilespmem:s21], [sflag:$0x3], $0x80, s24, s20, $0xb8;
	[tilespmem:$0x1C980] =	vst v63  }
0x69: {  	_ =	swait.ge [sflag:s16], $0x2800  }
0x6a: {  	[sflag:s16] =	ssyncset.done $0x0  }
0x6b: {  	[sflag:s16] =	ssyncadd.s32 $0xFFFFD800  }
0x6c: {  	_ =	swait.ge [sflag:s19], $0x80  }
0x6d: {  	[sflag:s19] =	ssyncset.done $0x0  }
0x6e: {  	[sflag:s19] =	ssyncadd.s32 $0xFFFFFF80  }
0x6f: {  	_ =	swait.ge [sflag:s22], $0x2800  }
0x70: {  	[sflag:s22] =	ssyncset.done $0x0  }
0x71: {  	[sflag:s22] =	ssyncadd.s32 $0xFFFFD800  }
0x72: {  	[tilespmem:s21], [sflag:$0x1] =	stream.indirect.gather [hbm4b:s1+s20], $0x80, s4, s20, $0xb8;
	[tilespmem:$0x1C980] =	vst v63  }
0x73: {  	_ = 	snop  }
0x74: {  	[spmem:s2] =	stream.indirect.scatter.add.f32 [tilespmem:s23], [sflag:$0x3], $0x80, s25, s20, $0xb8;
	[tilespmem:$0x1C980] =	vst v63  }
0x75: {  	_ =	swait.ge [sflag:s16], $0x2800  }
0x76: {  	[sflag:s16] =	ssyncset.done $0x0  }
0x77: {  	[sflag:s16] =	ssyncadd.s32 $0xFFFFD800  }
0x78: {  	_ =	swait.ge [sflag:s22], $0x2800  }
0x79: {  	[sflag:s22] =	ssyncset.done $0x0  }
0x7a: {  	[sflag:s22] =	ssyncadd.s32 $0xFFFFD800  }
0x7b: {  	[spmem:s2] =	stream.indirect.scatter.add.f32 [tilespmem:s21], [sflag:$0x3], $0x80, s26, s20, $0xb8;
	[tilespmem:$0x1C980] =	vst v63  }
0x7c: {  	_ =	swait.ge [sflag:s16], $0x2800  }
0x7d: {  	s28 =	sadd.s32 $0x1, s28;
	[sflag:s16] =	ssyncset.done $0x0  }
0x7e: {  	p0 =	sne.s32 s28, s12;
	[sflag:s16] =	ssyncadd.s32 $0xFFFFD800  }
.Ltmp1:
0x7f: {  	[bflag:$0x0] =	sbarrier.arrive $0xFFFF;
	(pc) =	sbr.rel @p0 .LBB2_1-.Ltmp1, $4  }
0x80: {  	[hbm:s11], [sflag:s14] =	dma.local [spmem:s15], $0x2710  }
0x81: {  	_ =	swait.ge [sflag:s16], $0x2710  }
0x82: {  	[sflag:s16] =	ssyncset.done $0x0  }
0x83: {  	[sflag:s16] =	ssyncadd.s32 $0xFFFFD8F0  }
0x84: {  	_ =	sfence.sel $0x180000  }
0x85: {  	[bflag:$0x0] =	sbarrier.arrive $0xFFFF  }
0x86: {  	_ =	strace $0x9000004A  }
0x87: {  	s0 =	stileid.u32;
	[bflag:$0x2] =	sbarrier.arrive $0xFFFF  }
0x88: {  	p0 =	sne.s32 s0, $0x0;
	s0 =	rddreg [dreg:$0x3]  }
0x89: {  	s0 =	sadd.s32 @!p0 $0x100000, s0  }
0x8a: {  	[sflag:s0] =	ssyncadd.tile.s32 @!p0 $0x1;
	_ =	shalt  }
.Lfunc_end2:
_tile_overlayer_lowered:
.L_overlay_start_2:
0x8b: {  	(tag) =	ssettag $0x2  }
0x8c: {  	s0 =	rddreg [dreg:$0x0];
	s2 =	stileid.u32  }
0x8d: {  	s1 =	rddreg [dreg:$0x1];
	p0 =	sne.s32 s2, $0x0  }
0x8e: {  	s3 =	rddreg [dreg:$0x2];
	[bflag:$0x3] =	sbarrier.arrive $0xFFFF;
	s2 =	simm.s32 @!p0 $0x1C03  }
0x8f: {  	[timem:s3], [sflag:s2] =	dma.local @!p0 [hbm:s0], s1  }
0x90: {  	s0 =	simm.s32 @!p0 $0x3  }
0x91: {  	_ =	swait.ge @!p0 [sflag:s0], s1  }
0x92: {  	s1 =	ssub.s32 @!p0 $0x0, s1;
	[sflag:s0] =	ssyncset.done @!p0 $0x0  }
0x93: {  	[sflag:s0] =	ssyncadd.s32 @!p0 s1  }
0x94: {  	[bflag:$0x3] =	sbarrier.arrive $0xFFFF  }
0x95: {  	_ =	shalt  }

// kernel: kernel.7.cloned.1.call-start
scs
__scs_entry_jumppad:
0x0: {  	(pc) =	sbr.rel $0x88, $3  }
0x1: {  	(tag) =	ssettag $0x0;
	lr =	simm.s32 $0x1  }
0x2: {  	[smem:$0x3F9D] =	sst lr;
	_ =	strace $0xD0000000  }
0x3: {  	_ = 	snop  }
0x4: {  	_ = 	snop  }
0x5: {  	_ = 	snop  }
0x6: {  	_ = 	snop  }
0x7: {  	_ = 	snop  }
__scs_overlays_trampoline_lowered:
0x8: {  	[smem:$0x3FAC] =	sst s0  }
0x9: {  	[smem:$0x3FAD] =	sst s1  }
0xa: {  	[smem:$0x3FAE] =	sst s2  }
0xb: {  	[smem:$0x3FAF] =	sst s3  }
0xc: {  	[smem:$0x3FB0] =	sst s4  }
0xd: {  	[smem:$0x3FB1] =	sst s5  }
0xe: {  	[smem:$0x3FB2] =	sst s6  }
0xf: {  	[smem:$0x3FB3] =	sst s7  }
0x10: {  	[smem:$0x3FB4] =	sst s8  }
0x11: {  	[smem:$0x3FB5] =	sst s9;
	s0 =	simm.s32 @!p0 $0x0  }
0x12: {  	s1 =	sld [smem:$0x3F9B];
	s0 =	simm.s32 @p0 $0x1  }
0x13: {  	[smem:$0x3FB6] =	sst s0;
	s0 =	simm.s32 @!p1 $0x0  }
0x14: {  	s2 =	sld [smem:$0x3F9A];
	s0 =	simm.s32 @p1 $0x1  }
0x15: {  	[smem:$0x3FB7] =	sst s0;
	s0 =	simm.s32 @!p2 $0x0  }
0x16: {  	s3 =	sld [smem:$0x3FDB];
	s0 =	simm.s32 @p2 $0x1  }
0x17: {  	s4 =	simm.s32 $0x1BF5;
	[smem:$0x3FB9] =	sst s0  }
0x18: {  	s0 =	sld [smem:$0x3F9C];
	_ =	swait.ge [sflag:s4], $0x0  }
0x19: {  	s7 =	sld [smem:$0x3F9D]  }
0x1a: {  	s8 =	sadd.s32 $0xFFFFE003, lr  }
0x1b: {  	s9 =	sadd.s32 $0xFFFFFEF7, lr;
	s5 =	simm.s32 $0xFFFFFFFF;
	p2 =	slt.u32 s8, $0xFFFFF086  }
0x1c: {  	p1 =	slt.u32 s9, $0xF7A;
	s5 =	simm.s32 @!p2 $0x0  }
0x1d: {  	s5 =	simm.s32 @p1 $0x1;
	p0 =	seq.s32 s7, s2  }
0x1e: {  	s7 =	smul.u32 @!p0 $0xF7A, s2;
	p2 =	seq.s32 @!p0 s5, $0x0  }
0x1f: {  	s9 =	smul.u32 $0xF7A, s1;
	s8 =	simm.s32 @!p0 $0x1BF5;
	p2 =	por !p2, p0  }
0x20: {  	[sflag:s8] =	ssyncset.s32 @!p0 $0xFFFFF086;
	s6 =	sadd.s32 @!p0 s3, s7;
	s7 =	simm.s32 @!p0 $0x108  }
0x21: {  	s3 =	sadd.s32 s3, s9;
	s6 =	sadd.s32 @!p0 $0x88, s6;
	s7 =	simm.s32 @p2 $0x1082  }
0x22: {  	[simem:s7], [sflag:s8] =	dma.local @!p0 [hbm:s6], $0xF7A  }
0x23: {  	s9 =	sor.u32 $0xD0000000, s2;
	s6 =	simm.s32 $0x108;
	_ =	swait.ge @!p0 [sflag:s8], $0x0  }
0x24: {  	s3 =	sadd.s32 $0x88, s3;
	s6 =	simm.s32 @!p1 $0x1082;
	[sflag:s4] =	ssyncset.s32 $0xFFFFF086  }
0x25: {  	[simem:s6], [sflag:s4] =	dma.local [hbm:s3], $0xF7A  }
0x26: {  	[smem:$0x3F9D] =	sst s1;
	(tag) =	ssettag s2;
	_ =	strace s9  }
0x27: {  	s1 =	sld [smem:$0x3FAD]  }
0x28: {  	s2 =	sld [smem:$0x3FAE]  }
0x29: {  	s4 =	sld [smem:$0x3FB0]  }
0x2a: {  	p0 =	seq.s32 s5, $0x0;
	s5 =	sld [smem:$0x3FB1]  }
0x2b: {  	s6 =	sld [smem:$0x3FB2]  }
0x2c: {  	s7 =	sld [smem:$0x3FB3]  }
0x2d: {  	s3 =	simm.s32 $0x108;
	s8 =	sld [smem:$0x3FB4]  }
0x2e: {  	s3 =	simm.s32 @!p0 $0x1082;
	s9 =	sld [smem:$0x3FB5]  }
0x2f: {  	lr =	sadd.s32 s0, s3;
	s0 =	sld [smem:$0x3FAC]  }
0x30: {  	s3 =	sld [smem:$0x3FAF]  }
0x31: {  	[smem:$0x3FB8] =	sst s10  }
0x32: {  	s10 =	sld [smem:$0x3FB6];
	_ =	sdelay $0x3  }
0x33: {  	p0 =	seq.s32 s10, $0x1;
	s10 =	sld [smem:$0x3FB8];
	_ =	sdelay $0x3  }
0x34: {  	[smem:$0x3FB8] =	sst s10  }
0x35: {  	s10 =	sld [smem:$0x3FB7];
	_ =	sdelay $0x3  }
0x36: {  	p1 =	seq.s32 s10, $0x1;
	s10 =	sld [smem:$0x3FB8];
	_ =	sdelay $0x3  }
0x37: {  	[smem:$0x3FB8] =	sst s10  }
0x38: {  	s10 =	sld [smem:$0x3FB9]  }
0x39: {  	_ = 	snop;
	(pc) =	sbr.ind lr, $3  }
0x3a: {  	_ = 	snop  }
0x3b: {  	_ = 	snop  }
0x3c: {  	p2 =	seq.s32 s10, $0x1;
	s10 =	sld [smem:$0x3FB8]  }
0x3d: {  	_ =	shalt  }
0x3e: {  	_ =	shalt  }
0x3f: {  	_ =	shalt  }
0x40: {  	_ =	shalt  }
0x41: {  	_ =	shalt  }
0x42: {  	_ =	shalt  }
0x43: {  	_ =	shalt  }
0x44: {  	_ =	shalt  }
0x45: {  	_ =	shalt  }
0x46: {  	_ =	shalt  }
0x47: {  	_ =	shalt  }
0x48: {  	_ =	shalt  }
0x49: {  	_ =	shalt  }
0x4a: {  	_ =	shalt  }
0x4b: {  	_ =	shalt  }
0x4c: {  	_ =	shalt  }
0x4d: {  	_ =	shalt  }
0x4e: {  	_ =	shalt  }
0x4f: {  	_ =	shalt  }
0x50: {  	_ =	shalt  }
0x51: {  	_ =	shalt  }
0x52: {  	_ =	shalt  }
0x53: {  	_ =	shalt  }
0x54: {  	_ =	shalt  }
0x55: {  	_ =	shalt  }
0x56: {  	_ =	shalt  }
0x57: {  	_ =	shalt  }
0x58: {  	_ =	shalt  }
0x59: {  	_ =	shalt  }
0x5a: {  	_ =	shalt  }
0x5b: {  	_ =	shalt  }
0x5c: {  	_ =	shalt  }
0x5d: {  	_ =	shalt  }
0x5e: {  	_ =	shalt  }
0x5f: {  	_ =	shalt  }
0x60: {  	_ =	shalt  }
0x61: {  	_ =	shalt  }
0x62: {  	_ =	shalt  }
0x63: {  	_ =	shalt  }
0x64: {  	_ =	shalt  }
0x65: {  	_ =	shalt  }
0x66: {  	_ =	shalt  }
0x67: {  	_ =	shalt  }
0x68: {  	_ =	shalt  }
0x69: {  	_ =	shalt  }
0x6a: {  	_ =	shalt  }
0x6b: {  	_ =	shalt  }
0x6c: {  	_ =	shalt  }
0x6d: {  	_ =	shalt  }
0x6e: {  	_ =	shalt  }
0x6f: {  	_ =	shalt  }
0x70: {  	_ =	shalt  }
0x71: {  	_ =	shalt  }
0x72: {  	_ =	shalt  }
0x73: {  	_ =	shalt  }
0x74: {  	_ =	shalt  }
0x75: {  	_ =	shalt  }
0x76: {  	_ =	shalt  }
0x77: {  	_ =	shalt  }
0x78: {  	_ =	shalt  }
0x79: {  	_ =	shalt  }
0x7a: {  	_ =	shalt  }
0x7b: {  	_ =	shalt  }
0x7c: {  	_ =	shalt  }
0x7d: {  	_ =	shalt  }
0x7e: {  	_ =	shalt  }
0x7f: {  	_ =	shalt  }
0x80: {  	_ =	shalt  }
0x81: {  	_ =	shalt  }
0x82: {  	_ =	shalt  }
0x83: {  	_ =	shalt  }
0x84: {  	_ =	shalt  }
0x85: {  	_ =	shalt  }
0x86: {  	_ =	shalt  }
0x87: {  	_ =	shalt  }
.Lfunc_end0:
.L_simem_size_0:
called_computation_lowered:
.L_overlay_start_0:
0x88: {  	s2 =	sld [smem:$0x3FD9]  }
0x89: {  	s3 =	sld [smem:$0x3FFE];
	_ =	sdelay $0x1  }
0x8a: {  	s1 =	srdreg.scid  }
0x8b: {  	s0 =	sand.u32 $0x1, s1  }
0x8c: {  	s17 =	sshll.u32 s0, $0xA;
	s2 =	sadd.s32 s3, s2  }
0x8d: {  	s2 =	sadd.s32 s2, s17  }
0x8e: {  	[smem:$0x3FC4] =	sst s2  }
0x8f: {  	_ = 	snop  }
0x90: {  	s2 =	sld [smem:$0x3FD0];
	(tm) =	ssettm $0x1  }
0x91: {  	s18 =	sld [smem:$0x3FFB];
	_ =	sdelay $0x3  }
0x92: {  	_ =	strace s18  }
0x93: {  	s3 =	sld [smem:$0x3FFC];
	_ =	sdelay $0x3  }
0x94: {  	_ =	strace s3  }
0x95: {  	s3 =	sld [smem:$0x3FFD];
	_ =	sdelay $0x3  }
0x96: {  	_ =	strace s3  }
0x97: {  	_ =	strace $0x8FFFFFFF  }
0x98: {  	s19 =	sld [smem:$0x3FDB];
	_ =	sdelay $0x1  }
0x99: {  	s4 =	simm.s32 $_scs_section_size  }
0x9a: {  	s5 =	simm.s32 $_size__tile_overlayer_lowered;
	s6 =	simm.s32 $_tile_overlayer_lowered  }
0x9b: {  	s22 =	simm.s32 $0x1BFF;
	s21 =	sshll.u32 s6, $0x1;
	s3 =	sadd.s32 s4, s19  }
0x9c: {  	s7 =	simm.s32 $0x0;
	s20 =	sshll.u32 s5, $0x1;
	s5 =	sadd.s32 s21, s3  }
0x9d: {  	[timem:s7], [sflag:s22] =	dma.local [hbm:s5], s20  }
0x9e: {  	_ =	swait.ge [sflag:s22], s20  }
0x9f: {  	s4 =	ssub.s32 $0x0, s20;
	[sflag:s22] =	ssyncset.done $0x0  }
0xa0: {  	[sflag:s22] =	ssyncadd.s32 s4;
	_ =	sdelay $0x1  }
0xa1: {  	s23 =	simm.s32 $0x1B8B  }
0xa2: {  	_ =	swait.ge [sflag:s23], $0x1  }
0xa3: {  	[sflag:s23] =	ssyncset.done $0x0  }
0xa4: {  	s25 =	simm.s32 $0x1B8E;
	s24 =	sld [smem:$0x3FFE];
	[sflag:s23] =	ssyncadd.s32 $0xFFFFFFFF  }
0xa5: {  	s26 =	simm.s32 $execute0_lowered;
	[smem:$0x3FD2] =	sst s25  }
0xa6: {  	s5 =	sshll.u32 s26, $0x1;
	_ =	strace $0x80000046;
	[dreg:$0x1] =	wrdreg $0xFFFFFFFF  }
0xa7: {  	s28 =	simm.s32 $_size_execute0_lowered;
	s3 =	sadd.s32 s3, s5;
	[dreg:$0x0] =	wrdreg $0x0  }
0xa8: {  	s5 =	sshll.u32 s28, $0x1;
	[dreg:$0x2] =	wrdreg s3  }
0xa9: {  	[dreg:$0x3] =	wrdreg s5  }
0xaa: {  	[dreg:$0x4] =	wrdreg $0xC0  }
0xab: {  	_ =	task [dreg:s7], $0x5FFFF  }
0xac: {  	[dreg:$0x1] =	wrdreg $0xFFFFFFFF  }
0xad: {  	[dreg:$0x0] =	wrdreg $0x60  }
0xae: {  	[dreg:$0x2] =	wrdreg s24  }
0xaf: {  	[dreg:$0x3] =	wrdreg s2  }
0xb0: {  	[dreg:$0x4] =	wrdreg $0x40800  }
0xb1: {  	[dreg:$0x5] =	wrdreg $0x9  }
0xb2: {  	_ =	task.clear_ibuf [dreg:s7], $0x6FFFF;
	_ =	strace $0x90000046  }
0xb3: {  	s29 =	simm.s32 $0x9;
	_ =	strace $0x80000048  }
0xb4: {  	_ =	swait.ge [sflag:s29], $0x1  }
0xb5: {  	[sflag:s29] =	ssyncadd.s32 $0xFFFFFFFF  }
0xb6: {  	_ =	strace $0x90000048  }
0xb7: {  	_ =	sfence  }
0xb8: {  	s30 =	sld [smem:$0x0];
	_ =	sdelay $0x2  }
0xb9: {  	s31 =	sshll.u32 s1, $0xD;
	s1 =	sshrl.u32 s1, $0x2  }
0xba: {  	s3 =	sand.u32 $0x4000, s31;
	s1 =	sadd.s32 s1, s30  }
0xbb: {  	s0 =	sor.u32 s3, s0;
	s1 =	sshll.u32 s1, $0x11  }
0xbc: {  	s0 =	sor.u32 s1, s0  }
0xbd: {  	s0 =	sadd.s32 $0x8F2B, s0  }
0xbe: {  	[sflag:s0] =	ssyncadd.remote.s32 $0x1  }
0xbf: {  	_ =	sfence.sel $0xFFFF  }
0xc0: {  	[dreg:$0x0] =	wrdreg $0xFFFFFFFF;
	(pc) =	sbr.abs _section_cstart, $3  }
0xc1: {  	[dreg:$0x1] =	wrdreg $0xFFFFFFFF  }
0xc2: {  	_ =	task.clear_ibuf [dreg:s7], $0x2FFFF;
	_ =	strace $0x9FFFFFFF  }
0xc3: {  	(tm) =	ssettm $0x7FFFFFFF  }
tec
execute0_lowered:
.L_overlay_start_1:
0x0: {  	(tag) =	ssettag $0x1  }
0x1: {  	s4 =	rddreg [dreg:$0x0]  }
0x2: {  	s6 =	rddreg [dreg:$0x1]  }
0x3: {  	s1 =	rddreg [dreg:$0x2]  }
0x4: {  	s0 =	rddreg [dreg:$0x3];
	s2 =	simm.s32 $0x0  }
0x5: {  	s7 =	stileid.u32;
	s3 =	srdreg.scid;
	s12 =	simm.s32 $0x0  }
0x6: {  	[smem:$0x7FF] =	sst s2;
	s5 =	sshll.u32 s7, $0xB;
	s8 =	sand.u32 $0x1, s3  }
0x7: {  	s3 =	sadd.s32 $0x10C00, s4;
	p0 =	sne.s32 s7, $0x0;
	_ =	strace $0x80000047  }
0x8: {  	s5 =	sadd.s32 s5, s4;
	s9 =	ssub.s32 $0x2, s8;
	s4 =	sadd.s32 $0x10E00, s4  }
0x9: {  	s11 =	sshll.u32 s8, $0xF;
	s8 =	sshll.u32 s8, $0x4;
	s10 =	sshrl.u32 s9, $0x1  }
0xa: {  	s5 =	sadd.s32 s11, s5;
	s6 =	sadd.s32 s6, s8;
	s8 =	sshrl.u32 @!p0 s1, $0x3  }
0xb: {  	s11 =	simm.s32 $0x50;
	s9 =	ssub.s32 s9, s10;
	s5 =	sadd.s32 $0xC00, s5  }
0xc: {  	s10 =	simm.s32 $0x1;
	s7 =	smax.u32 s9, $0x1;
	s9 =	simm.s32 $0x4000  }
.LBB2_1:
0xd: {  	s13 =	simm.s32 @!p0 $0x1C01  }
0xe: {  	[spmem:s8], [sflag:s13] =	dma.local @!p0 [hbm:s4], $0x4F0  }
0xf: {  	s13 =	simm.s32 @!p0 $0x1  }
0x10: {  	_ =	swait.ge @!p0 [sflag:s13], $0x4F0  }
0x11: {  	[sflag:s13] =	ssyncset.done @!p0 $0x0  }
0x12: {  	[sflag:s13] =	ssyncadd.s32 @!p0 $0xFFFFFB10  }
0x13: {  	[tilespmem:s9], [sflag:$0x1] =	stream.linear.gather [hbm4b:s3+s2], $0x80, $0x38;
	[tilespmem:$0x42F8] =	vst v63  }
0x14: {  	_ =	swait.ge [sflag:s10], $0x80  }
0x15: {  	[sflag:s10] =	ssyncset.done $0x0  }
0x16: {  	[sflag:s10] =	ssyncadd.s32 $0xFFFFFF80  }
0x17: {  	[tilespmem:s2], [sflag:$0x1] =	stream.linear.gather [hbm4b:s5+s2], $0x3E80, $0x38;
	[tilespmem:$0x42F8] =	vst v63  }
0x18: {  	_ =	swait.ge [sflag:s10], $0x3E80  }
0x19: {  	[sflag:s10] =	ssyncset.done $0x0  }
0x1a: {  	[sflag:s10] =	ssyncadd.s32 $0xFFFFC180  }
0x1b: {  	s31 =	simm.s32 $0x0;
	[bflag:$0x0] =	sbarrier.arrive $0xFFFF  }
0x1c: {  	[spmem:s1] =	stream.indirect.scatter.add.f32 [tilespmem:s9], [sflag:$0x1], $0x1, s31, s11, $0xb8;
	[tilespmem:$0x42F8] =	vst v63  }
0x1d: {  	_ =	swait.ge [sflag:s10], $0x50  }
0x1e: {  	s13 =	simm.s32 $0x200;
	[sflag:s10] =	ssyncset.done $0x0  }
.LBB2_2:
0x1f: {  	s14 =	sshra.s32 s13, $0x2;
	[sflag:s10] =	ssyncadd.s32 $0xFFFFFFB0;
	p1 =	sne.s32 s13, $0xF800  }
0x20: {  	[spmem:s1] =	stream.indirect.scatter.add.f32 [tilespmem:s9], [sflag:$0x1], $0x1, s14, s11, $0xb8;
	[tilespmem:$0x42F8] =	vst v63  }
.Ltmp0:
0x21: {  	_ = 	snop;
	(pc) =	sbr.rel @p1 .LBB2_2-.Ltmp0, $4  }
0x22: {  	_ = 	snop  }
0x23: {  	s13 =	sadd.s32 $0x200, s13  }
0x24: {  	_ =	swait.ge [sflag:s10], $0x50  }
0x25: {  	[sflag:s10] =	ssyncset.done $0x0  }
0x26: {  	[sflag:s10] =	ssyncadd.s32 $0xFFFFFFB0;
	s13 =	simm.s32 @!p0 $0x1;
	s12 =	sadd.s32 $0x1, s12  }
0x27: {  	s14 =	simm.s32 @!p0 $0x20;
	s15 =	simm.s32 @!p0 $0x10;
	p1 =	sne.s32 s12, s7  }
.Ltmp1:
0x28: {  	s16 =	simm.s32 @!p0 $0x1C01;
	[bflag:$0x0] =	sbarrier.arrive $0xFFFF;
	(pc) =	sbr.rel @p1 .LBB2_1-.Ltmp1, $4  }
0x29: {  	[hbm:s6@s14], [sflag:s16] =	dma.strided @!p0 [spmem:s8@s15], $0x4F0, s13, $0x10   }
0x2a: {  	_ =	swait.ge @!p0 [sflag:s13], $0x4F0  }
0x2b: {  	[sflag:s13] =	ssyncset.done @!p0 $0x0  }
0x2c: {  	[sflag:s13] =	ssyncadd.s32 @!p0 $0xFFFFFB10  }
0x2d: {  	_ =	sfence.sel $0x180000  }
0x2e: {  	[bflag:$0x0] =	sbarrier.arrive $0xFFFF  }
0x2f: {  	_ =	strace $0x90000047  }
0x30: {  	s0 =	sadd.s32 @!p0 $0x100000, s0;
	[bflag:$0x2] =	sbarrier.arrive $0xFFFF  }
0x31: {  	[sflag:s0] =	ssyncadd.tile.s32 @!p0 $0x1;
	_ =	shalt  }
.Lfunc_end2:
_tile_overlayer_lowered:
.L_overlay_start_2:
0x32: {  	(tag) =	ssettag $0x2  }
0x33: {  	s0 =	rddreg [dreg:$0x0];
	s2 =	stileid.u32  }
0x34: {  	s1 =	rddreg [dreg:$0x1];
	p0 =	sne.s32 s2, $0x0  }
0x35: {  	s3 =	rddreg [dreg:$0x2];
	[bflag:$0x3] =	sbarrier.arrive $0xFFFF;
	s2 =	simm.s32 @!p0 $0x1C01  }
0x36: {  	[timem:s3], [sflag:s2] =	dma.local @!p0 [hbm:s0], s1  }
0x37: {  	s0 =	simm.s32 @!p0 $0x1  }
0x38: {  	_ =	swait.ge @!p0 [sflag:s0], s1  }
0x39: {  	s1 =	ssub.s32 @!p0 $0x0, s1;
	[sflag:s0] =	ssyncset.done @!p0 $0x0  }
0x3a: {  	[sflag:s0] =	ssyncadd.s32 @!p0 s1  }
0x3b: {  	[bflag:$0x3] =	sbarrier.arrive $0xFFFF  }
0x3c: {  	_ =	shalt  }

</sc_bundles>
